<compile_context>
chip_gen: v7x
topology: tpu7x:2x2x1
jax: 0.10.2.dev20260603
libtpu: 0.0.44.dev20260713+nightly
codegen_flags: <defaults>
</compile_context>

<pallas_src>
import jax
import jax.numpy as jnp
from jax import lax
from jax.experimental import pallas as pl
from jax.experimental.pallas import tpu as pltpu
from jax.experimental.pallas import tpu_sc as plsc

N_NODES = 10000
N_EDGES = 320000
IN_DIM = 128
HID = 64
NUM_CLASSES = 2
NUM_GRAPHS = 512

_NC = 2
_NS = 16
_NW = _NC * _NS
_PER_W = N_EDGES // _NW
_CHUNK = 80
_NCHUNK = _PER_W // _CHUNK
_N_PAD = 10240
_ROWS_PER_TILE = _N_PAD // _NS



def _pre_body(x_ref, wo1_ref, b1_ref, xo1_ref):
    xo1_ref[...] = (jnp.dot(x_ref[...], wo1_ref[...],
                            preferred_element_type=jnp.float32) + b1_ref[...])


def _mid_body(p_ref, xo1_ref, wr1_ref, wo2_ref,
              b2_ref, h1p_ref, xo2_ref):
    agg1 = p_ref[0, :N_NODES] + p_ref[1, :N_NODES]
    h1 = jnp.maximum(
        jnp.dot(agg1, wr1_ref[...], preferred_element_type=jnp.float32)
        + xo1_ref[...],
        0.0)
    h1p_ref[...] = jnp.concatenate(
        [h1, jnp.zeros((N_NODES, IN_DIM - HID), jnp.float32)], axis=1)
    xo2_ref[...] = (jnp.dot(h1, wo2_ref[...],
                            preferred_element_type=jnp.float32) + b2_ref[...])


def _pool_body(p_ref, xo2_ref, wr2_ref, batch_ref, wl_ref, bl_ref, out_ref):
    agg2 = p_ref[0, :N_NODES, :HID] + p_ref[1, :N_NODES, :HID]
    h2 = jnp.maximum(
        jnp.dot(agg2, wr2_ref[...], preferred_element_type=jnp.float32)
        + xo2_ref[...], 0.0)
    gid = lax.broadcasted_iota(jnp.int32, (NUM_GRAPHS, 1), 0)
    sums = jnp.zeros((NUM_GRAPHS, HID), jnp.float32)
    counts = jnp.zeros((NUM_GRAPHS, 1), jnp.float32)
    ch = 1000
    for k in range(N_NODES // ch):
        b = batch_ref[:, k * ch:(k + 1) * ch]
        m = (gid == b).astype(jnp.float32)
        sums = sums + jnp.dot(m, h2[k * ch:(k + 1) * ch, :],
                              preferred_element_type=jnp.float32,
                              precision=lax.Precision.HIGHEST)
        counts = counts + jnp.sum(m, axis=1, keepdims=True)
    pooled = sums / jnp.maximum(counts, 1.0)
    out_ref[...] = (jnp.dot(pooled, wl_ref[...],
                            preferred_element_type=jnp.float32,
                            precision=lax.Precision.HIGHEST) + bl_ref[...])


_pre = pl.pallas_call(
    _pre_body,
    out_shape=jax.ShapeDtypeStruct((N_NODES, HID), jnp.float32),
)

_mid = pl.pallas_call(
    _mid_body,
    out_shape=[jax.ShapeDtypeStruct((N_NODES, IN_DIM), jnp.float32),
               jax.ShapeDtypeStruct((N_NODES, HID), jnp.float32)],
)

_pool = pl.pallas_call(
    _pool_body,
    out_shape=jax.ShapeDtypeStruct((NUM_GRAPHS, NUM_CLASSES), jnp.float32),
)



def _sc_scatter_body(xr_hbm, src_hbm, dst_hbm, zeros_hbm, out_hbm,
                     src_all, dst_all, b0, b1, acc_sh, g0, g1):
    cid = lax.axis_index("c")
    sid = lax.axis_index("s")
    wid = cid * _NS + sid
    row0 = sid * _ROWS_PER_TILE

    pltpu.sync_copy(src_hbm.at[wid], src_all)
    pltpu.sync_copy(dst_hbm.at[wid], dst_all)
    pltpu.sync_copy(zeros_hbm.at[pl.ds(row0, _ROWS_PER_TILE)],
                    acc_sh.at[pl.ds(row0, _ROWS_PER_TILE)])
    plsc.subcore_barrier()

    def gather(j, buf, sem):
        pltpu.async_copy(
            xr_hbm.at[src_all.at[pl.ds(pl.multiple_of(j * _CHUNK, 8),
                                       _CHUNK)]], buf, sem)

    def wait_gather(buf, sem):
        pltpu.make_async_copy(xr_hbm.at[src_all.at[pl.ds(0, _CHUNK)]],
                              buf, sem).wait()

    def scatter(j, buf):
        pltpu.sync_copy(buf, acc_sh.at[dst_all.at[j]], add=True)

    gather(0, b0, g0)

    def body(jo, carry):
        j = 2 * jo
        gather(j + 1, b1, g1)
        wait_gather(b0, g0)
        scatter(j, b0)
        gather(j + 2, b0, g0)
        wait_gather(b1, g1)
        scatter(j + 1, b1)
        return carry

    lax.fori_loop(0, (_NCHUNK - 1) // 2, body, 0)

    wait_gather(b0, g0)
    scatter(_NCHUNK - 1, b0)

    plsc.subcore_barrier()
    pltpu.sync_copy(acc_sh.at[pl.ds(row0, _ROWS_PER_TILE)],
                    out_hbm.at[cid, pl.ds(row0, _ROWS_PER_TILE)])


_SC_SCATTER_CACHE = []


def _get_sc_scatter():
    if not _SC_SCATTER_CACHE:
        _SC_SCATTER_CACHE.append(pl.kernel(
            _sc_scatter_body,
            out_type=jax.ShapeDtypeStruct((_NC, _N_PAD, IN_DIM),
                                          jnp.float32),
            mesh=plsc.VectorSubcoreMesh(core_axis_name="c",
                                        subcore_axis_name="s"),
            scratch_types=[
                pltpu.VMEM((_PER_W,), jnp.int32),
                pltpu.VMEM((_NCHUNK, _CHUNK), jnp.int32),
                pltpu.VMEM((_CHUNK, IN_DIM), jnp.float32),
                pltpu.VMEM((_CHUNK, IN_DIM), jnp.float32),
                pltpu.VMEM_SHARED((_N_PAD, IN_DIM), jnp.float32),
                pltpu.SemaphoreType.DMA,
                pltpu.SemaphoreType.DMA,
            ],
        ))
    return _SC_SCATTER_CACHE[0]


def kernel(x, edge_index, batch, W_rel1, b_rel1, W_root1,
           W_rel2, b_rel2, W_root2, W_lin, b_lin):
    src = edge_index[0].astype(jnp.int32).reshape(_NW, _PER_W)
    dst = edge_index[1].astype(jnp.int32).reshape(_NW, _NCHUNK, _CHUNK)
    batch2d = batch.astype(jnp.int32).reshape(1, N_NODES)
    zeros_pad = jnp.zeros((_N_PAD, IN_DIM), jnp.float32)

    sc_scatter = _get_sc_scatter()
    xo1 = _pre(x, W_root1, b_rel1.reshape(1, HID))
    p1 = sc_scatter(x, src, dst, zeros_pad)
    h1p, xo2 = _mid(p1, xo1, W_rel1, W_root2, b_rel2.reshape(1, HID))
    p2 = sc_scatter(h1p, src, dst, zeros_pad)
    return _pool(p2, xo2, W_rel2, batch2d, W_lin,
                 b_lin.reshape(1, NUM_CLASSES))

# --- scband reference (transcript-rebuilt; emitter-appended) ---
"""Pipeline reference for scband-gnnclassifier-88648124990399 (READ-ONLY COPY).

The authoritative reference and input builder live on the scoring server;
editing this copy changes nothing except your own understanding.
"""

import jax, jax.numpy as jnp
import numpy as np

N_NODES = 10000
N_EDGES = 320000
IN_DIM = 128
HID = 64
NUM_CLASSES = 2
NUM_GRAPHS = 512


def setup_inputs(seed: int = 0) -> dict:
    key = jax.random.key(seed)
    ks = jax.random.split(key, 12)
    x = jax.random.normal(ks[0], (N_NODES, IN_DIM), dtype=jnp.float32)
    edge_index = jax.random.randint(ks[1], (2, N_EDGES), 0, N_NODES, dtype=jnp.int64)
    batch = jnp.sort(jax.random.randint(ks[2], (N_NODES,), 0, NUM_GRAPHS, dtype=jnp.int64))
    # GraphConv layer 1: lin_rel (weight+bias) applied to aggregated neighbors, lin_root (weight only)
    W_rel1 = jax.random.normal(ks[3], (IN_DIM, HID), dtype=jnp.float32) * (1.0 / np.sqrt(IN_DIM))
    b_rel1 = jnp.zeros((HID,), dtype=jnp.float32)
    W_root1 = jax.random.normal(ks[4], (IN_DIM, HID), dtype=jnp.float32) * (1.0 / np.sqrt(IN_DIM))
    # GraphConv layer 2
    W_rel2 = jax.random.normal(ks[5], (HID, HID), dtype=jnp.float32) * (1.0 / np.sqrt(HID))
    b_rel2 = jnp.zeros((HID,), dtype=jnp.float32)
    W_root2 = jax.random.normal(ks[6], (HID, HID), dtype=jnp.float32) * (1.0 / np.sqrt(HID))
    # final linear classifier
    W_lin = jax.random.normal(ks[7], (HID, NUM_CLASSES), dtype=jnp.float32) * (1.0 / np.sqrt(HID))
    b_lin = jnp.zeros((NUM_CLASSES,), dtype=jnp.float32)
    return {"x": x, "edge_index": edge_index, "batch": batch,
            "W_rel1": W_rel1, "b_rel1": b_rel1, "W_root1": W_root1,
            "W_rel2": W_rel2, "b_rel2": b_rel2, "W_root2": W_root2,
            "W_lin": W_lin, "b_lin": b_lin}


def _graph_conv(x, edge_index, W_rel, b_rel, W_root):
    # PyG GraphConv (aggr='add'): out = lin_rel(sum_{j in N(i)} x_j) + lin_root(x_i)
    src = edge_index[0]
    dst = edge_index[1]
    msgs = jnp.take(x, src, axis=0)  # gather source node features [E, d]
    agg = jax.ops.segment_sum(msgs, dst, num_segments=x.shape[0])  # scatter-add to dst
    return agg @ W_rel + b_rel + x @ W_root


def reference(x, edge_index, batch, W_rel1, b_rel1, W_root1, W_rel2, b_rel2, W_root2, W_lin, b_lin):
    h = jax.nn.relu(_graph_conv(x, edge_index, W_rel1, b_rel1, W_root1))
    h = jax.nn.relu(_graph_conv(h, edge_index, W_rel2, b_rel2, W_root2))
    # global_mean_pool over batch segment ids
    sums = jax.ops.segment_sum(h, batch, num_segments=NUM_GRAPHS)
    counts = jax.ops.segment_sum(jnp.ones((h.shape[0],), dtype=h.dtype), batch, num_segments=NUM_GRAPHS)
    pooled = sums / jnp.clip(counts, 1.0, None)[:, None]
    return pooled @ W_lin + b_lin

if __name__ == "__main__":
    import jax
    _d = setup_inputs()
    print(jax.jit(kernel)(*tuple(_d.values())))

</pallas_src>

<mosaic_0001>
#map = affine_map<(d0, d1) -> (0, 0)>
#map1 = affine_map<(d0, d1) -> (0, 0, 0)>
module attributes {stable_mosaic.version = 14 : i64} {
  func.func @_sc_scatter_body(%arg0: i32, %arg1: i32, %arg2: memref<10000x128xf32, #tpu.memory_space<hbm>>, %arg3: memref<32x10000xi32, #tpu.memory_space<hbm>>, %arg4: memref<32x125x80xi32, #tpu.memory_space<hbm>>, %arg5: memref<10240x128xf32, #tpu.memory_space<hbm>>, %arg6: memref<2x10240x128xf32, #tpu.memory_space<hbm>>, %arg7: memref<10000xi32, #tpu.memory_space<vmem>>, %arg8: memref<125x80xi32, #tpu.memory_space<vmem>>, %arg9: memref<80x128xf32, #tpu.memory_space<vmem>>, %arg10: memref<80x128xf32, #tpu.memory_space<vmem>>, %arg11: memref<10240x128xf32, #tpu.memory_space<vmem_shared>>, %arg12: memref<!tpu.dma_semaphore, #tpu.memory_space<semaphore_mem>>, %arg13: memref<!tpu.dma_semaphore, #tpu.memory_space<semaphore_mem>>) attributes {dimension_semantics = [#tpu.dimension_semantics<core_parallel>, #tpu.dimension_semantics<subcore_parallel>], iteration_bounds = array<i64: 2, 16>, scalar_prefetch = 0 : i64, scratch_operands = 7 : i64, tpu.core_type = #tpu.core_type<sc_vector_subcore>, window_params = [{transform_indices = #map}, {transform_indices = #map}, {transform_indices = #map1}, {transform_indices = #map}, {transform_indices = #map1}]} {
    %mul3A = arith.constant 16 : i32
    %mul3A_0 = arith.muli %arg0, %mul3A : i32
    %add3A = arith.addi %mul3A_0, %arg1 : i32
    %mul3A_1 = arith.constant 640 : i32
    %mul3A_2 = arith.muli %arg1, %mul3A_1 : i32
    "tpu.region"() ({
      %run_scoped3A_17 = tpu.sem_alloc : memref<!tpu.dma_semaphore, #tpu.memory_space<semaphore_mem>>
      %dma_start3A_18 = arith.constant 0 : i32
      %dma_start3A_19 = tpu.memref_slice %arg3[%add3A, %dma_start3A_18] : memref<32x10000xi32, #tpu.memory_space<hbm>> -> memref<1x10000xi32, #tpu.memory_space<hbm>>
      %dma_start3A_20 = tpu.memref_squeeze %dma_start3A_19 : memref<1x10000xi32, #tpu.memory_space<hbm>> -> memref<10000xi32, #tpu.memory_space<hbm>>
      %dma_start3A_21 = arith.constant 0 : i32
      %dma_start3A_22 = tpu.memref_slice %arg3[%add3A, %dma_start3A_21] : memref<32x10000xi32, #tpu.memory_space<hbm>> -> memref<1x10000xi32, #tpu.memory_space<hbm>>
      %dma_start3A_23 = tpu.memref_squeeze %dma_start3A_22 : memref<1x10000xi32, #tpu.memory_space<hbm>> -> memref<10000xi32, #tpu.memory_space<hbm>>
      tpu.enqueue_dma source(%dma_start3A_23 : memref<10000xi32, #tpu.memory_space<hbm>>) target(%arg7 : memref<10000xi32, #tpu.memory_space<vmem>>) target_semaphore(%run_scoped3A_17 : memref<!tpu.dma_semaphore, #tpu.memory_space<semaphore_mem>>)
      %dma_wait3A_24 = arith.constant 0 : i32
      %dma_wait3A_25 = tpu.memref_slice %arg3[%add3A, %dma_wait3A_24] : memref<32x10000xi32, #tpu.memory_space<hbm>> -> memref<1x10000xi32, #tpu.memory_space<hbm>>
      %dma_wait3A_26 = tpu.memref_squeeze %dma_wait3A_25 : memref<1x10000xi32, #tpu.memory_space<hbm>> -> memref<10000xi32, #tpu.memory_space<hbm>>
      %dma_wait3A_27 = arith.constant 0 : i32
      %dma_wait3A_28 = tpu.memref_slice %arg3[%add3A, %dma_wait3A_27] : memref<32x10000xi32, #tpu.memory_space<hbm>> -> memref<1x10000xi32, #tpu.memory_space<hbm>>
      %dma_wait3A_29 = tpu.memref_squeeze %dma_wait3A_28 : memref<1x10000xi32, #tpu.memory_space<hbm>> -> memref<10000xi32, #tpu.memory_space<hbm>>
      tpu.wait_dma2 semaphore(%run_scoped3A_17 : memref<!tpu.dma_semaphore, #tpu.memory_space<semaphore_mem>>) src(%dma_wait3A_29 : memref<10000xi32, #tpu.memory_space<hbm>>) dst(%arg7 : memref<10000xi32, #tpu.memory_space<vmem>>)
      tpu.yield
    }) : () -> ()
    "tpu.region"() ({
      %run_scoped3A_17 = tpu.sem_alloc : memref<!tpu.dma_semaphore, #tpu.memory_space<semaphore_mem>>
      %dma_start3A_18 = arith.constant 0 : i32
      %dma_start3A_19 = arith.constant 0 : i32
      %dma_start3A_20 = tpu.memref_slice %arg4[%add3A, %dma_start3A_18, %dma_start3A_19] : memref<32x125x80xi32, #tpu.memory_space<hbm>> -> memref<1x125x80xi32, #tpu.memory_space<hbm>>
      %dma_start3A_21 = tpu.memref_squeeze %dma_start3A_20 : memref<1x125x80xi32, #tpu.memory_space<hbm>> -> memref<125x80xi32, #tpu.memory_space<hbm>>
      %dma_start3A_22 = arith.constant 0 : i32
      %dma_start3A_23 = arith.constant 0 : i32
      %dma_start3A_24 = tpu.memref_slice %arg4[%add3A, %dma_start3A_22, %dma_start3A_23] : memref<32x125x80xi32, #tpu.memory_space<hbm>> -> memref<1x125x80xi32, #tpu.memory_space<hbm>>
      %dma_start3A_25 = tpu.memref_squeeze %dma_start3A_24 : memref<1x125x80xi32, #tpu.memory_space<hbm>> -> memref<125x80xi32, #tpu.memory_space<hbm>>
      tpu.enqueue_dma source(%dma_start3A_25 : memref<125x80xi32, #tpu.memory_space<hbm>>) target(%arg8 : memref<125x80xi32, #tpu.memory_space<vmem>>) target_semaphore(%run_scoped3A_17 : memref<!tpu.dma_semaphore, #tpu.memory_space<semaphore_mem>>)
      %dma_wait3A_26 = arith.constant 0 : i32
      %dma_wait3A_27 = arith.constant 0 : i32
      %dma_wait3A_28 = tpu.memref_slice %arg4[%add3A, %dma_wait3A_26, %dma_wait3A_27] : memref<32x125x80xi32, #tpu.memory_space<hbm>> -> memref<1x125x80xi32, #tpu.memory_space<hbm>>
      %dma_wait3A_29 = tpu.memref_squeeze %dma_wait3A_28 : memref<1x125x80xi32, #tpu.memory_space<hbm>> -> memref<125x80xi32, #tpu.memory_space<hbm>>
      %dma_wait3A_30 = arith.constant 0 : i32
      %dma_wait3A_31 = arith.constant 0 : i32
      %dma_wait3A_32 = tpu.memref_slice %arg4[%add3A, %dma_wait3A_30, %dma_wait3A_31] : memref<32x125x80xi32, #tpu.memory_space<hbm>> -> memref<1x125x80xi32, #tpu.memory_space<hbm>>
      %dma_wait3A_33 = tpu.memref_squeeze %dma_wait3A_32 : memref<1x125x80xi32, #tpu.memory_space<hbm>> -> memref<125x80xi32, #tpu.memory_space<hbm>>
      tpu.wait_dma2 semaphore(%run_scoped3A_17 : memref<!tpu.dma_semaphore, #tpu.memory_space<semaphore_mem>>) src(%dma_wait3A_33 : memref<125x80xi32, #tpu.memory_space<hbm>>) dst(%arg8 : memref<125x80xi32, #tpu.memory_space<vmem>>)
      tpu.yield
    }) : () -> ()
    "tpu.region"() ({
      %run_scoped3A_17 = tpu.sem_alloc : memref<!tpu.dma_semaphore, #tpu.memory_space<semaphore_mem>>
      %dma_start3A_18 = arith.constant 0 : i32
      %dma_start3A_19 = tpu.memref_slice %arg11[%mul3A_2, %dma_start3A_18] : memref<10240x128xf32, #tpu.memory_space<vmem_shared>> -> memref<640x128xf32, #tpu.memory_space<vmem_shared>>
      %dma_start3A_20 = arith.constant 0 : i32
      %dma_start3A_21 = tpu.memref_slice %arg5[%mul3A_2, %dma_start3A_20] : memref<10240x128xf32, #tpu.memory_space<hbm>> -> memref<640x128xf32, #tpu.memory_space<hbm>>
      tpu.enqueue_dma source(%dma_start3A_21 : memref<640x128xf32, #tpu.memory_space<hbm>>) target(%dma_start3A_19 : memref<640x128xf32, #tpu.memory_space<vmem_shared>>) target_semaphore(%run_scoped3A_17 : memref<!tpu.dma_semaphore, #tpu.memory_space<semaphore_mem>>)
      %dma_wait3A_22 = arith.constant 0 : i32
      %dma_wait3A_23 = tpu.memref_slice %arg11[%mul3A_2, %dma_wait3A_22] : memref<10240x128xf32, #tpu.memory_space<vmem_shared>> -> memref<640x128xf32, #tpu.memory_space<vmem_shared>>
      %dma_wait3A_24 = arith.constant 0 : i32
      %dma_wait3A_25 = tpu.memref_slice %arg5[%mul3A_2, %dma_wait3A_24] : memref<10240x128xf32, #tpu.memory_space<hbm>> -> memref<640x128xf32, #tpu.memory_space<hbm>>
      tpu.wait_dma2 semaphore(%run_scoped3A_17 : memref<!tpu.dma_semaphore, #tpu.memory_space<semaphore_mem>>) src(%dma_wait3A_25 : memref<640x128xf32, #tpu.memory_space<hbm>>) dst(%dma_wait3A_23 : memref<640x128xf32, #tpu.memory_space<vmem_shared>>)
      tpu.yield
    }) : () -> ()
    %barrier3A = arith.constant 0 : index
    tpu.barrier barrier_id(%barrier3A)
    %multiple_of3A = arith.constant 0 : i32
    %multiple_of3A_3 = tpu.assume_multiple %multiple_of3A, 8 : i32
    %dma_start3A = tpu.memref_slice %arg7[%multiple_of3A_3] : memref<10000xi32, #tpu.memory_space<vmem>> -> memref<80xi32, #tpu.memory_space<vmem>>
    %dma_start3A_4 = arith.constant 0 : i32
    %dma_start3A_5 = arith.constant 0 : i32
    %dma_start3A_6 = tpu.memref_slice %arg2[%dma_start3A_4, %dma_start3A_5] : memref<10000x128xf32, #tpu.memory_space<hbm>> -> memref<10000x128xf32, #tpu.memory_space<hbm>>
    tpu.enqueue_indirect_dma source(%dma_start3A_6 : memref<10000x128xf32, #tpu.memory_space<hbm>>) target(%arg9 : memref<80x128xf32, #tpu.memory_space<vmem>>) offsets(%dma_start3A : memref<80xi32, #tpu.memory_space<vmem>>) semaphore(%arg12 : memref<!tpu.dma_semaphore, #tpu.memory_space<semaphore_mem>>)
    %scan3A = arith.constant 0 : i32
    %scan3A_7 = arith.constant 0 : i32
    %scan3A_8 = arith.constant 62 : i32
    %scan3A_9 = arith.addi %scan3A_7, %scan3A_8 : i32
    %scan3A_10 = arith.constant 1 : i32
    scf.for %scan3A_17 = %scan3A_7 to %scan3A_9 step %scan3A_10  : i32 {
      %mul3A_18 = arith.constant 2 : i32
      %mul3A_19 = arith.muli %mul3A_18, %scan3A_17 : i32
      %add3A_20 = arith.constant 1 : i32
      %add3A_21 = arith.addi %mul3A_19, %add3A_20 : i32
      %mul3A_22 = arith.constant 80 : i32
      %mul3A_23 = arith.muli %add3A_21, %mul3A_22 : i32
      %multiple_of3A_24 = tpu.assume_multiple %mul3A_23, 8 : i32
      %dma_start3A_25 = tpu.memref_slice %arg7[%multiple_of3A_24] : memref<10000xi32, #tpu.memory_space<vmem>> -> memref<80xi32, #tpu.memory_space<vmem>>
      %dma_start3A_26 = arith.constant 0 : i32
      %dma_start3A_27 = arith.constant 0 : i32
      %dma_start3A_28 = tpu.memref_slice %arg2[%dma_start3A_26, %dma_start3A_27] : memref<10000x128xf32, #tpu.memory_space<hbm>> -> memref<10000x128xf32, #tpu.memory_space<hbm>>
      tpu.enqueue_indirect_dma source(%dma_start3A_28 : memref<10000x128xf32, #tpu.memory_space<hbm>>) target(%arg10 : memref<80x128xf32, #tpu.memory_space<vmem>>) offsets(%dma_start3A_25 : memref<80xi32, #tpu.memory_space<vmem>>) semaphore(%arg13 : memref<!tpu.dma_semaphore, #tpu.memory_space<semaphore_mem>>)
      %dma_wait3A_29 = arith.constant 0 : i32
      %dma_wait3A_30 = tpu.memref_slice %arg7[%dma_wait3A_29] : memref<10000xi32, #tpu.memory_space<vmem>> -> memref<80xi32, #tpu.memory_space<vmem>>
      %dma_wait3A_31 = arith.constant 0 : i32
      %dma_wait3A_32 = arith.constant 0 : i32
      %dma_wait3A_33 = tpu.memref_slice %arg2[%dma_wait3A_31, %dma_wait3A_32] : memref<10000x128xf32, #tpu.memory_space<hbm>> -> memref<10000x128xf32, #tpu.memory_space<hbm>>
      tpu.wait_indirect_dma semaphore(%arg12 : memref<!tpu.dma_semaphore, #tpu.memory_space<semaphore_mem>>) src(%dma_wait3A_33 : memref<10000x128xf32, #tpu.memory_space<hbm>>) dst(%arg9 : memref<80x128xf32, #tpu.memory_space<vmem>>)
      "tpu.region"() ({
        %run_scoped3A_50 = tpu.sem_alloc : memref<!tpu.dma_semaphore, #tpu.memory_space<semaphore_mem>>
        %dma_start3A_51 = arith.constant 0 : i32
        %dma_start3A_52 = tpu.memref_slice %arg8[%mul3A_19, %dma_start3A_51] : memref<125x80xi32, #tpu.memory_space<vmem>> -> memref<1x80xi32, #tpu.memory_space<vmem>>
        %dma_start3A_53 = tpu.memref_squeeze %dma_start3A_52 : memref<1x80xi32, #tpu.memory_space<vmem>> -> memref<80xi32, #tpu.memory_space<vmem>>
        %dma_start3A_54 = arith.constant 0 : i32
        %dma_start3A_55 = arith.constant 0 : i32
        %dma_start3A_56 = tpu.memref_slice %arg11[%dma_start3A_54, %dma_start3A_55] : memref<10240x128xf32, #tpu.memory_space<vmem_shared>> -> memref<10240x128xf32, #tpu.memory_space<vmem_shared>>
        tpu.enqueue_indirect_dma source(%arg9 : memref<80x128xf32, #tpu.memory_space<vmem>>) target(%dma_start3A_56 : memref<10240x128xf32, #tpu.memory_space<vmem_shared>>) offsets(%dma_start3A_53 : memref<80xi32, #tpu.memory_space<vmem>>) semaphore(%run_scoped3A_50 : memref<!tpu.dma_semaphore, #tpu.memory_space<semaphore_mem>>) {add = true}
        %dma_wait3A_57 = arith.constant 0 : i32
        %dma_wait3A_58 = tpu.memref_slice %arg8[%mul3A_19, %dma_wait3A_57] : memref<125x80xi32, #tpu.memory_space<vmem>> -> memref<1x80xi32, #tpu.memory_space<vmem>>
        %dma_wait3A_59 = tpu.memref_squeeze %dma_wait3A_58 : memref<1x80xi32, #tpu.memory_space<vmem>> -> memref<80xi32, #tpu.memory_space<vmem>>
        %dma_wait3A_60 = arith.constant 0 : i32
        %dma_wait3A_61 = arith.constant 0 : i32
        %dma_wait3A_62 = tpu.memref_slice %arg11[%dma_wait3A_60, %dma_wait3A_61] : memref<10240x128xf32, #tpu.memory_space<vmem_shared>> -> memref<10240x128xf32, #tpu.memory_space<vmem_shared>>
        tpu.wait_indirect_dma semaphore(%run_scoped3A_50 : memref<!tpu.dma_semaphore, #tpu.memory_space<semaphore_mem>>) src(%arg9 : memref<80x128xf32, #tpu.memory_space<vmem>>) dst(%dma_wait3A_62 : memref<10240x128xf32, #tpu.memory_space<vmem_shared>>)
        tpu.yield
      }) : () -> ()
      %add3A_34 = arith.constant 2 : i32
      %add3A_35 = arith.addi %mul3A_19, %add3A_34 : i32
      %mul3A_36 = arith.constant 80 : i32
      %mul3A_37 = arith.muli %add3A_35, %mul3A_36 : i32
      %multiple_of3A_38 = tpu.assume_multiple %mul3A_37, 8 : i32
      %dma_start3A_39 = tpu.memref_slice %arg7[%multiple_of3A_38] : memref<10000xi32, #tpu.memory_space<vmem>> -> memref<80xi32, #tpu.memory_space<vmem>>
      %dma_start3A_40 = arith.constant 0 : i32
      %dma_start3A_41 = arith.constant 0 : i32
      %dma_start3A_42 = tpu.memref_slice %arg2[%dma_start3A_40, %dma_start3A_41] : memref<10000x128xf32, #tpu.memory_space<hbm>> -> memref<10000x128xf32, #tpu.memory_space<hbm>>
      tpu.enqueue_indirect_dma source(%dma_start3A_42 : memref<10000x128xf32, #tpu.memory_space<hbm>>) target(%arg9 : memref<80x128xf32, #tpu.memory_space<vmem>>) offsets(%dma_start3A_39 : memref<80xi32, #tpu.memory_space<vmem>>) semaphore(%arg12 : memref<!tpu.dma_semaphore, #tpu.memory_space<semaphore_mem>>)
      %dma_wait3A_43 = arith.constant 0 : i32
      %dma_wait3A_44 = tpu.memref_slice %arg7[%dma_wait3A_43] : memref<10000xi32, #tpu.memory_space<vmem>> -> memref<80xi32, #tpu.memory_space<vmem>>
      %dma_wait3A_45 = arith.constant 0 : i32
      %dma_wait3A_46 = arith.constant 0 : i32
      %dma_wait3A_47 = tpu.memref_slice %arg2[%dma_wait3A_45, %dma_wait3A_46] : memref<10000x128xf32, #tpu.memory_space<hbm>> -> memref<10000x128xf32, #tpu.memory_space<hbm>>
      tpu.wait_indirect_dma semaphore(%arg13 : memref<!tpu.dma_semaphore, #tpu.memory_space<semaphore_mem>>) src(%dma_wait3A_47 : memref<10000x128xf32, #tpu.memory_space<hbm>>) dst(%arg10 : memref<80x128xf32, #tpu.memory_space<vmem>>)
      %add3A_48 = arith.constant 1 : i32
      %add3A_49 = arith.addi %mul3A_19, %add3A_48 : i32
      "tpu.region"() ({
        %run_scoped3A_50 = tpu.sem_alloc : memref<!tpu.dma_semaphore, #tpu.memory_space<semaphore_mem>>
        %dma_start3A_51 = arith.constant 0 : i32
        %dma_start3A_52 = tpu.memref_slice %arg8[%add3A_49, %dma_start3A_51] : memref<125x80xi32, #tpu.memory_space<vmem>> -> memref<1x80xi32, #tpu.memory_space<vmem>>
        %dma_start3A_53 = tpu.memref_squeeze %dma_start3A_52 : memref<1x80xi32, #tpu.memory_space<vmem>> -> memref<80xi32, #tpu.memory_space<vmem>>
        %dma_start3A_54 = arith.constant 0 : i32
        %dma_start3A_55 = arith.constant 0 : i32
        %dma_start3A_56 = tpu.memref_slice %arg11[%dma_start3A_54, %dma_start3A_55] : memref<10240x128xf32, #tpu.memory_space<vmem_shared>> -> memref<10240x128xf32, #tpu.memory_space<vmem_shared>>
        tpu.enqueue_indirect_dma source(%arg10 : memref<80x128xf32, #tpu.memory_space<vmem>>) target(%dma_start3A_56 : memref<10240x128xf32, #tpu.memory_space<vmem_shared>>) offsets(%dma_start3A_53 : memref<80xi32, #tpu.memory_space<vmem>>) semaphore(%run_scoped3A_50 : memref<!tpu.dma_semaphore, #tpu.memory_space<semaphore_mem>>) {add = true}
        %dma_wait3A_57 = arith.constant 0 : i32
        %dma_wait3A_58 = tpu.memref_slice %arg8[%add3A_49, %dma_wait3A_57] : memref<125x80xi32, #tpu.memory_space<vmem>> -> memref<1x80xi32, #tpu.memory_space<vmem>>
        %dma_wait3A_59 = tpu.memref_squeeze %dma_wait3A_58 : memref<1x80xi32, #tpu.memory_space<vmem>> -> memref<80xi32, #tpu.memory_space<vmem>>
        %dma_wait3A_60 = arith.constant 0 : i32
        %dma_wait3A_61 = arith.constant 0 : i32
        %dma_wait3A_62 = tpu.memref_slice %arg11[%dma_wait3A_60, %dma_wait3A_61] : memref<10240x128xf32, #tpu.memory_space<vmem_shared>> -> memref<10240x128xf32, #tpu.memory_space<vmem_shared>>
        tpu.wait_indirect_dma semaphore(%run_scoped3A_50 : memref<!tpu.dma_semaphore, #tpu.memory_space<semaphore_mem>>) src(%arg10 : memref<80x128xf32, #tpu.memory_space<vmem>>) dst(%dma_wait3A_62 : memref<10240x128xf32, #tpu.memory_space<vmem_shared>>)
        tpu.yield
      }) : () -> ()
    }
    %scan3A_11 = arith.constant 62 : i32
    %dma_wait3A = arith.constant 0 : i32
    %dma_wait3A_12 = tpu.memref_slice %arg7[%dma_wait3A] : memref<10000xi32, #tpu.memory_space<vmem>> -> memref<80xi32, #tpu.memory_space<vmem>>
    %dma_wait3A_13 = arith.constant 0 : i32
    %dma_wait3A_14 = arith.constant 0 : i32
    %dma_wait3A_15 = tpu.memref_slice %arg2[%dma_wait3A_13, %dma_wait3A_14] : memref<10000x128xf32, #tpu.memory_space<hbm>> -> memref<10000x128xf32, #tpu.memory_space<hbm>>
    tpu.wait_indirect_dma semaphore(%arg12 : memref<!tpu.dma_semaphore, #tpu.memory_space<semaphore_mem>>) src(%dma_wait3A_15 : memref<10000x128xf32, #tpu.memory_space<hbm>>) dst(%arg9 : memref<80x128xf32, #tpu.memory_space<vmem>>)
    %run_scoped3A = arith.constant 124 : i32
    "tpu.region"() ({
      %run_scoped3A_17 = tpu.sem_alloc : memref<!tpu.dma_semaphore, #tpu.memory_space<semaphore_mem>>
      %dma_start3A_18 = arith.constant 0 : i32
      %dma_start3A_19 = tpu.memref_slice %arg8[%run_scoped3A, %dma_start3A_18] : memref<125x80xi32, #tpu.memory_space<vmem>> -> memref<1x80xi32, #tpu.memory_space<vmem>>
      %dma_start3A_20 = tpu.memref_squeeze %dma_start3A_19 : memref<1x80xi32, #tpu.memory_space<vmem>> -> memref<80xi32, #tpu.memory_space<vmem>>
      %dma_start3A_21 = arith.constant 0 : i32
      %dma_start3A_22 = arith.constant 0 : i32
      %dma_start3A_23 = tpu.memref_slice %arg11[%dma_start3A_21, %dma_start3A_22] : memref<10240x128xf32, #tpu.memory_space<vmem_shared>> -> memref<10240x128xf32, #tpu.memory_space<vmem_shared>>
      tpu.enqueue_indirect_dma source(%arg9 : memref<80x128xf32, #tpu.memory_space<vmem>>) target(%dma_start3A_23 : memref<10240x128xf32, #tpu.memory_space<vmem_shared>>) offsets(%dma_start3A_20 : memref<80xi32, #tpu.memory_space<vmem>>) semaphore(%run_scoped3A_17 : memref<!tpu.dma_semaphore, #tpu.memory_space<semaphore_mem>>) {add = true}
      %dma_wait3A_24 = arith.constant 0 : i32
      %dma_wait3A_25 = tpu.memref_slice %arg8[%run_scoped3A, %dma_wait3A_24] : memref<125x80xi32, #tpu.memory_space<vmem>> -> memref<1x80xi32, #tpu.memory_space<vmem>>
      %dma_wait3A_26 = tpu.memref_squeeze %dma_wait3A_25 : memref<1x80xi32, #tpu.memory_space<vmem>> -> memref<80xi32, #tpu.memory_space<vmem>>
      %dma_wait3A_27 = arith.constant 0 : i32
      %dma_wait3A_28 = arith.constant 0 : i32
      %dma_wait3A_29 = tpu.memref_slice %arg11[%dma_wait3A_27, %dma_wait3A_28] : memref<10240x128xf32, #tpu.memory_space<vmem_shared>> -> memref<10240x128xf32, #tpu.memory_space<vmem_shared>>
      tpu.wait_indirect_dma semaphore(%run_scoped3A_17 : memref<!tpu.dma_semaphore, #tpu.memory_space<semaphore_mem>>) src(%arg9 : memref<80x128xf32, #tpu.memory_space<vmem>>) dst(%dma_wait3A_29 : memref<10240x128xf32, #tpu.memory_space<vmem_shared>>)
      tpu.yield
    }) : () -> ()
    %barrier3A_16 = arith.constant 0 : index
    tpu.barrier barrier_id(%barrier3A_16)
    "tpu.region"() ({
      %run_scoped3A_17 = tpu.sem_alloc : memref<!tpu.dma_semaphore, #tpu.memory_space<semaphore_mem>>
      %dma_start3A_18 = arith.constant 0 : i32
      %dma_start3A_19 = tpu.memref_slice %arg6[%arg0, %mul3A_2, %dma_start3A_18] : memref<2x10240x128xf32, #tpu.memory_space<hbm>> -> memref<1x640x128xf32, #tpu.memory_space<hbm>>
      %dma_start3A_20 = tpu.memref_squeeze %dma_start3A_19 : memref<1x640x128xf32, #tpu.memory_space<hbm>> -> memref<640x128xf32, #tpu.memory_space<hbm>>
      %dma_start3A_21 = arith.constant 0 : i32
      %dma_start3A_22 = tpu.memref_slice %arg11[%mul3A_2, %dma_start3A_21] : memref<10240x128xf32, #tpu.memory_space<vmem_shared>> -> memref<640x128xf32, #tpu.memory_space<vmem_shared>>
      tpu.enqueue_dma source(%dma_start3A_22 : memref<640x128xf32, #tpu.memory_space<vmem_shared>>) target(%dma_start3A_20 : memref<640x128xf32, #tpu.memory_space<hbm>>) target_semaphore(%run_scoped3A_17 : memref<!tpu.dma_semaphore, #tpu.memory_space<semaphore_mem>>)
      %dma_wait3A_23 = arith.constant 0 : i32
      %dma_wait3A_24 = tpu.memref_slice %arg6[%arg0, %mul3A_2, %dma_wait3A_23] : memref<2x10240x128xf32, #tpu.memory_space<hbm>> -> memref<1x640x128xf32, #tpu.memory_space<hbm>>
      %dma_wait3A_25 = tpu.memref_squeeze %dma_wait3A_24 : memref<1x640x128xf32, #tpu.memory_space<hbm>> -> memref<640x128xf32, #tpu.memory_space<hbm>>
      %dma_wait3A_26 = arith.constant 0 : i32
      %dma_wait3A_27 = tpu.memref_slice %arg11[%mul3A_2, %dma_wait3A_26] : memref<10240x128xf32, #tpu.memory_space<vmem_shared>> -> memref<640x128xf32, #tpu.memory_space<vmem_shared>>
      tpu.wait_dma2 semaphore(%run_scoped3A_17 : memref<!tpu.dma_semaphore, #tpu.memory_space<semaphore_mem>>) src(%dma_wait3A_27 : memref<640x128xf32, #tpu.memory_space<vmem_shared>>) dst(%dma_wait3A_25 : memref<640x128xf32, #tpu.memory_space<hbm>>)
      tpu.yield
    }) : () -> ()
    return
  }
}

#map = affine_map<(d0, d1) -> (0, 0)>
#map1 = affine_map<(d0, d1) -> (0, 0, 0)>
module attributes {stable_mosaic.version = 14 : i64} {
  func.func @_sc_scatter_body(%arg0: i32, %arg1: i32, %arg2: memref<10000x128xf32, #tpu.memory_space<hbm>>, %arg3: memref<32x10000xi32, #tpu.memory_space<hbm>>, %arg4: memref<32x125x80xi32, #tpu.memory_space<hbm>>, %arg5: memref<10240x128xf32, #tpu.memory_space<hbm>>, %arg6: memref<2x10240x128xf32, #tpu.memory_space<hbm>>, %arg7: memref<10000xi32, #tpu.memory_space<vmem>>, %arg8: memref<125x80xi32, #tpu.memory_space<vmem>>, %arg9: memref<80x128xf32, #tpu.memory_space<vmem>>, %arg10: memref<80x128xf32, #tpu.memory_space<vmem>>, %arg11: memref<10240x128xf32, #tpu.memory_space<vmem_shared>>, %arg12: memref<!tpu.dma_semaphore, #tpu.memory_space<semaphore_mem>>, %arg13: memref<!tpu.dma_semaphore, #tpu.memory_space<semaphore_mem>>) attributes {dimension_semantics = [#tpu.dimension_semantics<core_parallel>, #tpu.dimension_semantics<subcore_parallel>], iteration_bounds = array<i64: 2, 16>, scalar_prefetch = 0 : i64, scratch_operands = 7 : i64, tpu.core_type = #tpu.core_type<sc_vector_subcore>, window_params = [{transform_indices = #map}, {transform_indices = #map}, {transform_indices = #map1}, {transform_indices = #map}, {transform_indices = #map1}]} {
    %mul3A = arith.constant 16 : i32
    %mul3A_0 = arith.muli %arg0, %mul3A : i32
    %add3A = arith.addi %mul3A_0, %arg1 : i32
    %mul3A_1 = arith.constant 640 : i32
    %mul3A_2 = arith.muli %arg1, %mul3A_1 : i32
    "tpu.region"() ({
      %run_scoped3A_17 = tpu.sem_alloc : memref<!tpu.dma_semaphore, #tpu.memory_space<semaphore_mem>>
      %dma_start3A_18 = arith.constant 0 : i32
      %dma_start3A_19 = tpu.memref_slice %arg3[%add3A, %dma_start3A_18] : memref<32x10000xi32, #tpu.memory_space<hbm>> -> memref<1x10000xi32, #tpu.memory_space<hbm>>
      %dma_start3A_20 = tpu.memref_squeeze %dma_start3A_19 : memref<1x10000xi32, #tpu.memory_space<hbm>> -> memref<10000xi32, #tpu.memory_space<hbm>>
      %dma_start3A_21 = arith.constant 0 : i32
      %dma_start3A_22 = tpu.memref_slice %arg3[%add3A, %dma_start3A_21] : memref<32x10000xi32, #tpu.memory_space<hbm>> -> memref<1x10000xi32, #tpu.memory_space<hbm>>
      %dma_start3A_23 = tpu.memref_squeeze %dma_start3A_22 : memref<1x10000xi32, #tpu.memory_space<hbm>> -> memref<10000xi32, #tpu.memory_space<hbm>>
      tpu.enqueue_dma source(%dma_start3A_23 : memref<10000xi32, #tpu.memory_space<hbm>>) target(%arg7 : memref<10000xi32, #tpu.memory_space<vmem>>) target_semaphore(%run_scoped3A_17 : memref<!tpu.dma_semaphore, #tpu.memory_space<semaphore_mem>>)
      %dma_wait3A_24 = arith.constant 0 : i32
      %dma_wait3A_25 = tpu.memref_slice %arg3[%add3A, %dma_wait3A_24] : memref<32x10000xi32, #tpu.memory_space<hbm>> -> memref<1x10000xi32, #tpu.memory_space<hbm>>
      %dma_wait3A_26 = tpu.memref_squeeze %dma_wait3A_25 : memref<1x10000xi32, #tpu.memory_space<hbm>> -> memref<10000xi32, #tpu.memory_space<hbm>>
      %dma_wait3A_27 = arith.constant 0 : i32
      %dma_wait3A_28 = tpu.memref_slice %arg3[%add3A, %dma_wait3A_27] : memref<32x10000xi32, #tpu.memory_space<hbm>> -> memref<1x10000xi32, #tpu.memory_space<hbm>>
      %dma_wait3A_29 = tpu.memref_squeeze %dma_wait3A_28 : memref<1x10000xi32, #tpu.memory_space<hbm>> -> memref<10000xi32, #tpu.memory_space<hbm>>
      tpu.wait_dma2 semaphore(%run_scoped3A_17 : memref<!tpu.dma_semaphore, #tpu.memory_space<semaphore_mem>>) src(%dma_wait3A_29 : memref<10000xi32, #tpu.memory_space<hbm>>) dst(%arg7 : memref<10000xi32, #tpu.memory_space<vmem>>)
      tpu.yield
    }) : () -> ()
    "tpu.region"() ({
      %run_scoped3A_17 = tpu.sem_alloc : memref<!tpu.dma_semaphore, #tpu.memory_space<semaphore_mem>>
      %dma_start3A_18 = arith.constant 0 : i32
      %dma_start3A_19 = arith.constant 0 : i32
      %dma_start3A_20 = tpu.memref_slice %arg4[%add3A, %dma_start3A_18, %dma_start3A_19] : memref<32x125x80xi32, #tpu.memory_space<hbm>> -> memref<1x125x80xi32, #tpu.memory_space<hbm>>
      %dma_start3A_21 = tpu.memref_squeeze %dma_start3A_20 : memref<1x125x80xi32, #tpu.memory_space<hbm>> -> memref<125x80xi32, #tpu.memory_space<hbm>>
      %dma_start3A_22 = arith.constant 0 : i32
      %dma_start3A_23 = arith.constant 0 : i32
      %dma_start3A_24 = tpu.memref_slice %arg4[%add3A, %dma_start3A_22, %dma_start3A_23] : memref<32x125x80xi32, #tpu.memory_space<hbm>> -> memref<1x125x80xi32, #tpu.memory_space<hbm>>
      %dma_start3A_25 = tpu.memref_squeeze %dma_start3A_24 : memref<1x125x80xi32, #tpu.memory_space<hbm>> -> memref<125x80xi32, #tpu.memory_space<hbm>>
      tpu.enqueue_dma source(%dma_start3A_25 : memref<125x80xi32, #tpu.memory_space<hbm>>) target(%arg8 : memref<125x80xi32, #tpu.memory_space<vmem>>) target_semaphore(%run_scoped3A_17 : memref<!tpu.dma_semaphore, #tpu.memory_space<semaphore_mem>>)
      %dma_wait3A_26 = arith.constant 0 : i32
      %dma_wait3A_27 = arith.constant 0 : i32
      %dma_wait3A_28 = tpu.memref_slice %arg4[%add3A, %dma_wait3A_26, %dma_wait3A_27] : memref<32x125x80xi32, #tpu.memory_space<hbm>> -> memref<1x125x80xi32, #tpu.memory_space<hbm>>
      %dma_wait3A_29 = tpu.memref_squeeze %dma_wait3A_28 : memref<1x125x80xi32, #tpu.memory_space<hbm>> -> memref<125x80xi32, #tpu.memory_space<hbm>>
      %dma_wait3A_30 = arith.constant 0 : i32
      %dma_wait3A_31 = arith.constant 0 : i32
      %dma_wait3A_32 = tpu.memref_slice %arg4[%add3A, %dma_wait3A_30, %dma_wait3A_31] : memref<32x125x80xi32, #tpu.memory_space<hbm>> -> memref<1x125x80xi32, #tpu.memory_space<hbm>>
      %dma_wait3A_33 = tpu.memref_squeeze %dma_wait3A_32 : memref<1x125x80xi32, #tpu.memory_space<hbm>> -> memref<125x80xi32, #tpu.memory_space<hbm>>
      tpu.wait_dma2 semaphore(%run_scoped3A_17 : memref<!tpu.dma_semaphore, #tpu.memory_space<semaphore_mem>>) src(%dma_wait3A_33 : memref<125x80xi32, #tpu.memory_space<hbm>>) dst(%arg8 : memref<125x80xi32, #tpu.memory_space<vmem>>)
      tpu.yield
    }) : () -> ()
    "tpu.region"() ({
      %run_scoped3A_17 = tpu.sem_alloc : memref<!tpu.dma_semaphore, #tpu.memory_space<semaphore_mem>>
      %dma_start3A_18 = arith.constant 0 : i32
      %dma_start3A_19 = tpu.memref_slice %arg11[%mul3A_2, %dma_start3A_18] : memref<10240x128xf32, #tpu.memory_space<vmem_shared>> -> memref<640x128xf32, #tpu.memory_space<vmem_shared>>
      %dma_start3A_20 = arith.constant 0 : i32
      %dma_start3A_21 = tpu.memref_slice %arg5[%mul3A_2, %dma_start3A_20] : memref<10240x128xf32, #tpu.memory_space<hbm>> -> memref<640x128xf32, #tpu.memory_space<hbm>>
      tpu.enqueue_dma source(%dma_start3A_21 : memref<640x128xf32, #tpu.memory_space<hbm>>) target(%dma_start3A_19 : memref<640x128xf32, #tpu.memory_space<vmem_shared>>) target_semaphore(%run_scoped3A_17 : memref<!tpu.dma_semaphore, #tpu.memory_space<semaphore_mem>>)
      %dma_wait3A_22 = arith.constant 0 : i32
      %dma_wait3A_23 = tpu.memref_slice %arg11[%mul3A_2, %dma_wait3A_22] : memref<10240x128xf32, #tpu.memory_space<vmem_shared>> -> memref<640x128xf32, #tpu.memory_space<vmem_shared>>
      %dma_wait3A_24 = arith.constant 0 : i32
      %dma_wait3A_25 = tpu.memref_slice %arg5[%mul3A_2, %dma_wait3A_24] : memref<10240x128xf32, #tpu.memory_space<hbm>> -> memref<640x128xf32, #tpu.memory_space<hbm>>
      tpu.wait_dma2 semaphore(%run_scoped3A_17 : memref<!tpu.dma_semaphore, #tpu.memory_space<semaphore_mem>>) src(%dma_wait3A_25 : memref<640x128xf32, #tpu.memory_space<hbm>>) dst(%dma_wait3A_23 : memref<640x128xf32, #tpu.memory_space<vmem_shared>>)
      tpu.yield
    }) : () -> ()
    %barrier3A = arith.constant 0 : index
    tpu.barrier barrier_id(%barrier3A)
    %multiple_of3A = arith.constant 0 : i32
    %multiple_of3A_3 = tpu.assume_multiple %multiple_of3A, 8 : i32
    %dma_start3A = tpu.memref_slice %arg7[%multiple_of3A_3] : memref<10000xi32, #tpu.memory_space<vmem>> -> memref<80xi32, #tpu.memory_space<vmem>>
    %dma_start3A_4 = arith.constant 0 : i32
    %dma_start3A_5 = arith.constant 0 : i32
    %dma_start3A_6 = tpu.memref_slice %arg2[%dma_start3A_4, %dma_start3A_5] : memref<10000x128xf32, #tpu.memory_space<hbm>> -> memref<10000x128xf32, #tpu.memory_space<hbm>>
    tpu.enqueue_indirect_dma source(%dma_start3A_6 : memref<10000x128xf32, #tpu.memory_space<hbm>>) target(%arg9 : memref<80x128xf32, #tpu.memory_space<vmem>>) offsets(%dma_start3A : memref<80xi32, #tpu.memory_space<vmem>>) semaphore(%arg12 : memref<!tpu.dma_semaphore, #tpu.memory_space<semaphore_mem>>)
    %scan3A = arith.constant 0 : i32
    %scan3A_7 = arith.constant 0 : i32
    %scan3A_8 = arith.constant 62 : i32
    %scan3A_9 = arith.addi %scan3A_7, %scan3A_8 : i32
    %scan3A_10 = arith.constant 1 : i32
    scf.for %scan3A_17 = %scan3A_7 to %scan3A_9 step %scan3A_10  : i32 {
      %mul3A_18 = arith.constant 2 : i32
      %mul3A_19 = arith.muli %mul3A_18, %scan3A_17 : i32
      %add3A_20 = arith.constant 1 : i32
      %add3A_21 = arith.addi %mul3A_19, %add3A_20 : i32
      %mul3A_22 = arith.constant 80 : i32
      %mul3A_23 = arith.muli %add3A_21, %mul3A_22 : i32
      %multiple_of3A_24 = tpu.assume_multiple %mul3A_23, 8 : i32
      %dma_start3A_25 = tpu.memref_slice %arg7[%multiple_of3A_24] : memref<10000xi32, #tpu.memory_space<vmem>> -> memref<80xi32, #tpu.memory_space<vmem>>
      %dma_start3A_26 = arith.constant 0 : i32
      %dma_start3A_27 = arith.constant 0 : i32
      %dma_start3A_28 = tpu.memref_slice %arg2[%dma_start3A_26, %dma_start3A_27] : memref<10000x128xf32, #tpu.memory_space<hbm>> -> memref<10000x128xf32, #tpu.memory_space<hbm>>
      tpu.enqueue_indirect_dma source(%dma_start3A_28 : memref<10000x128xf32, #tpu.memory_space<hbm>>) target(%arg10 : memref<80x128xf32, #tpu.memory_space<vmem>>) offsets(%dma_start3A_25 : memref<80xi32, #tpu.memory_space<vmem>>) semaphore(%arg13 : memref<!tpu.dma_semaphore, #tpu.memory_space<semaphore_mem>>)
      %dma_wait3A_29 = arith.constant 0 : i32
      %dma_wait3A_30 = tpu.memref_slice %arg7[%dma_wait3A_29] : memref<10000xi32, #tpu.memory_space<vmem>> -> memref<80xi32, #tpu.memory_space<vmem>>
      %dma_wait3A_31 = arith.constant 0 : i32
      %dma_wait3A_32 = arith.constant 0 : i32
      %dma_wait3A_33 = tpu.memref_slice %arg2[%dma_wait3A_31, %dma_wait3A_32] : memref<10000x128xf32, #tpu.memory_space<hbm>> -> memref<10000x128xf32, #tpu.memory_space<hbm>>
      tpu.wait_indirect_dma semaphore(%arg12 : memref<!tpu.dma_semaphore, #tpu.memory_space<semaphore_mem>>) src(%dma_wait3A_33 : memref<10000x128xf32, #tpu.memory_space<hbm>>) dst(%arg9 : memref<80x128xf32, #tpu.memory_space<vmem>>)
      "tpu.region"() ({
        %run_scoped3A_50 = tpu.sem_alloc : memref<!tpu.dma_semaphore, #tpu.memory_space<semaphore_mem>>
        %dma_start3A_51 = arith.constant 0 : i32
        %dma_start3A_52 = tpu.memref_slice %arg8[%mul3A_19, %dma_start3A_51] : memref<125x80xi32, #tpu.memory_space<vmem>> -> memref<1x80xi32, #tpu.memory_space<vmem>>
        %dma_start3A_53 = tpu.memref_squeeze %dma_start3A_52 : memref<1x80xi32, #tpu.memory_space<vmem>> -> memref<80xi32, #tpu.memory_space<vmem>>
        %dma_start3A_54 = arith.constant 0 : i32
        %dma_start3A_55 = arith.constant 0 : i32
        %dma_start3A_56 = tpu.memref_slice %arg11[%dma_start3A_54, %dma_start3A_55] : memref<10240x128xf32, #tpu.memory_space<vmem_shared>> -> memref<10240x128xf32, #tpu.memory_space<vmem_shared>>
        tpu.enqueue_indirect_dma source(%arg9 : memref<80x128xf32, #tpu.memory_space<vmem>>) target(%dma_start3A_56 : memref<10240x128xf32, #tpu.memory_space<vmem_shared>>) offsets(%dma_start3A_53 : memref<80xi32, #tpu.memory_space<vmem>>) semaphore(%run_scoped3A_50 : memref<!tpu.dma_semaphore, #tpu.memory_space<semaphore_mem>>) {add = true}
        %dma_wait3A_57 = arith.constant 0 : i32
        %dma_wait3A_58 = tpu.memref_slice %arg8[%mul3A_19, %dma_wait3A_57] : memref<125x80xi32, #tpu.memory_space<vmem>> -> memref<1x80xi32, #tpu.memory_space<vmem>>
        %dma_wait3A_59 = tpu.memref_squeeze %dma_wait3A_58 : memref<1x80xi32, #tpu.memory_space<vmem>> -> memref<80xi32, #tpu.memory_space<vmem>>
        %dma_wait3A_60 = arith.constant 0 : i32
        %dma_wait3A_61 = arith.constant 0 : i32
        %dma_wait3A_62 = tpu.memref_slice %arg11[%dma_wait3A_60, %dma_wait3A_61] : memref<10240x128xf32, #tpu.memory_space<vmem_shared>> -> memref<10240x128xf32, #tpu.memory_space<vmem_shared>>
        tpu.wait_indirect_dma semaphore(%run_scoped3A_50 : memref<!tpu.dma_semaphore, #tpu.memory_space<semaphore_mem>>) src(%arg9 : memref<80x128xf32, #tpu.memory_space<vmem>>) dst(%dma_wait3A_62 : memref<10240x128xf32, #tpu.memory_space<vmem_shared>>)
        tpu.yield
      }) : () -> ()
      %add3A_34 = arith.constant 2 : i32
      %add3A_35 = arith.addi %mul3A_19, %add3A_34 : i32
      %mul3A_36 = arith.constant 80 : i32
      %mul3A_37 = arith.muli %add3A_35, %mul3A_36 : i32
      %multiple_of3A_38 = tpu.assume_multiple %mul3A_37, 8 : i32
      %dma_start3A_39 = tpu.memref_slice %arg7[%multiple_of3A_38] : memref<10000xi32, #tpu.memory_space<vmem>> -> memref<80xi32, #tpu.memory_space<vmem>>
      %dma_start3A_40 = arith.constant 0 : i32
      %dma_start3A_41 = arith.constant 0 : i32
      %dma_start3A_42 = tpu.memref_slice %arg2[%dma_start3A_40, %dma_start3A_41] : memref<10000x128xf32, #tpu.memory_space<hbm>> -> memref<10000x128xf32, #tpu.memory_space<hbm>>
      tpu.enqueue_indirect_dma source(%dma_start3A_42 : memref<10000x128xf32, #tpu.memory_space<hbm>>) target(%arg9 : memref<80x128xf32, #tpu.memory_space<vmem>>) offsets(%dma_start3A_39 : memref<80xi32, #tpu.memory_space<vmem>>) semaphore(%arg12 : memref<!tpu.dma_semaphore, #tpu.memory_space<semaphore_mem>>)
      %dma_wait3A_43 = arith.constant 0 : i32
      %dma_wait3A_44 = tpu.memref_slice %arg7[%dma_wait3A_43] : memref<10000xi32, #tpu.memory_space<vmem>> -> memref<80xi32, #tpu.memory_space<vmem>>
      %dma_wait3A_45 = arith.constant 0 : i32
      %dma_wait3A_46 = arith.constant 0 : i32
      %dma_wait3A_47 = tpu.memref_slice %arg2[%dma_wait3A_45, %dma_wait3A_46] : memref<10000x128xf32, #tpu.memory_space<hbm>> -> memref<10000x128xf32, #tpu.memory_space<hbm>>
      tpu.wait_indirect_dma semaphore(%arg13 : memref<!tpu.dma_semaphore, #tpu.memory_space<semaphore_mem>>) src(%dma_wait3A_47 : memref<10000x128xf32, #tpu.memory_space<hbm>>) dst(%arg10 : memref<80x128xf32, #tpu.memory_space<vmem>>)
      %add3A_48 = arith.constant 1 : i32
      %add3A_49 = arith.addi %mul3A_19, %add3A_48 : i32
      "tpu.region"() ({
        %run_scoped3A_50 = tpu.sem_alloc : memref<!tpu.dma_semaphore, #tpu.memory_space<semaphore_mem>>
        %dma_start3A_51 = arith.constant 0 : i32
        %dma_start3A_52 = tpu.memref_slice %arg8[%add3A_49, %dma_start3A_51] : memref<125x80xi32, #tpu.memory_space<vmem>> -> memref<1x80xi32, #tpu.memory_space<vmem>>
        %dma_start3A_53 = tpu.memref_squeeze %dma_start3A_52 : memref<1x80xi32, #tpu.memory_space<vmem>> -> memref<80xi32, #tpu.memory_space<vmem>>
        %dma_start3A_54 = arith.constant 0 : i32
        %dma_start3A_55 = arith.constant 0 : i32
        %dma_start3A_56 = tpu.memref_slice %arg11[%dma_start3A_54, %dma_start3A_55] : memref<10240x128xf32, #tpu.memory_space<vmem_shared>> -> memref<10240x128xf32, #tpu.memory_space<vmem_shared>>
        tpu.enqueue_indirect_dma source(%arg10 : memref<80x128xf32, #tpu.memory_space<vmem>>) target(%dma_start3A_56 : memref<10240x128xf32, #tpu.memory_space<vmem_shared>>) offsets(%dma_start3A_53 : memref<80xi32, #tpu.memory_space<vmem>>) semaphore(%run_scoped3A_50 : memref<!tpu.dma_semaphore, #tpu.memory_space<semaphore_mem>>) {add = true}
        %dma_wait3A_57 = arith.constant 0 : i32
        %dma_wait3A_58 = tpu.memref_slice %arg8[%add3A_49, %dma_wait3A_57] : memref<125x80xi32, #tpu.memory_space<vmem>> -> memref<1x80xi32, #tpu.memory_space<vmem>>
        %dma_wait3A_59 = tpu.memref_squeeze %dma_wait3A_58 : memref<1x80xi32, #tpu.memory_space<vmem>> -> memref<80xi32, #tpu.memory_space<vmem>>
        %dma_wait3A_60 = arith.constant 0 : i32
        %dma_wait3A_61 = arith.constant 0 : i32
        %dma_wait3A_62 = tpu.memref_slice %arg11[%dma_wait3A_60, %dma_wait3A_61] : memref<10240x128xf32, #tpu.memory_space<vmem_shared>> -> memref<10240x128xf32, #tpu.memory_space<vmem_shared>>
        tpu.wait_indirect_dma semaphore(%run_scoped3A_50 : memref<!tpu.dma_semaphore, #tpu.memory_space<semaphore_mem>>) src(%arg10 : memref<80x128xf32, #tpu.memory_space<vmem>>) dst(%dma_wait3A_62 : memref<10240x128xf32, #tpu.memory_space<vmem_shared>>)
        tpu.yield
      }) : () -> ()
    }
    %scan3A_11 = arith.constant 62 : i32
    %dma_wait3A = arith.constant 0 : i32
    %dma_wait3A_12 = tpu.memref_slice %arg7[%dma_wait3A] : memref<10000xi32, #tpu.memory_space<vmem>> -> memref<80xi32, #tpu.memory_space<vmem>>
    %dma_wait3A_13 = arith.constant 0 : i32
    %dma_wait3A_14 = arith.constant 0 : i32
    %dma_wait3A_15 = tpu.memref_slice %arg2[%dma_wait3A_13, %dma_wait3A_14] : memref<10000x128xf32, #tpu.memory_space<hbm>> -> memref<10000x128xf32, #tpu.memory_space<hbm>>
    tpu.wait_indirect_dma semaphore(%arg12 : memref<!tpu.dma_semaphore, #tpu.memory_space<semaphore_mem>>) src(%dma_wait3A_15 : memref<10000x128xf32, #tpu.memory_space<hbm>>) dst(%arg9 : memref<80x128xf32, #tpu.memory_space<vmem>>)
    %run_scoped3A = arith.constant 124 : i32
    "tpu.region"() ({
      %run_scoped3A_17 = tpu.sem_alloc : memref<!tpu.dma_semaphore, #tpu.memory_space<semaphore_mem>>
      %dma_start3A_18 = arith.constant 0 : i32
      %dma_start3A_19 = tpu.memref_slice %arg8[%run_scoped3A, %dma_start3A_18] : memref<125x80xi32, #tpu.memory_space<vmem>> -> memref<1x80xi32, #tpu.memory_space<vmem>>
      %dma_start3A_20 = tpu.memref_squeeze %dma_start3A_19 : memref<1x80xi32, #tpu.memory_space<vmem>> -> memref<80xi32, #tpu.memory_space<vmem>>
      %dma_start3A_21 = arith.constant 0 : i32
      %dma_start3A_22 = arith.constant 0 : i32
      %dma_start3A_23 = tpu.memref_slice %arg11[%dma_start3A_21, %dma_start3A_22] : memref<10240x128xf32, #tpu.memory_space<vmem_shared>> -> memref<10240x128xf32, #tpu.memory_space<vmem_shared>>
      tpu.enqueue_indirect_dma source(%arg9 : memref<80x128xf32, #tpu.memory_space<vmem>>) target(%dma_start3A_23 : memref<10240x128xf32, #tpu.memory_space<vmem_shared>>) offsets(%dma_start3A_20 : memref<80xi32, #tpu.memory_space<vmem>>) semaphore(%run_scoped3A_17 : memref<!tpu.dma_semaphore, #tpu.memory_space<semaphore_mem>>) {add = true}
      %dma_wait3A_24 = arith.constant 0 : i32
      %dma_wait3A_25 = tpu.memref_slice %arg8[%run_scoped3A, %dma_wait3A_24] : memref<125x80xi32, #tpu.memory_space<vmem>> -> memref<1x80xi32, #tpu.memory_space<vmem>>
      %dma_wait3A_26 = tpu.memref_squeeze %dma_wait3A_25 : memref<1x80xi32, #tpu.memory_space<vmem>> -> memref<80xi32, #tpu.memory_space<vmem>>
      %dma_wait3A_27 = arith.constant 0 : i32
      %dma_wait3A_28 = arith.constant 0 : i32
      %dma_wait3A_29 = tpu.memref_slice %arg11[%dma_wait3A_27, %dma_wait3A_28] : memref<10240x128xf32, #tpu.memory_space<vmem_shared>> -> memref<10240x128xf32, #tpu.memory_space<vmem_shared>>
      tpu.wait_indirect_dma semaphore(%run_scoped3A_17 : memref<!tpu.dma_semaphore, #tpu.memory_space<semaphore_mem>>) src(%arg9 : memref<80x128xf32, #tpu.memory_space<vmem>>) dst(%dma_wait3A_29 : memref<10240x128xf32, #tpu.memory_space<vmem_shared>>)
      tpu.yield
    }) : () -> ()
    %barrier3A_16 = arith.constant 0 : index
    tpu.barrier barrier_id(%barrier3A_16)
    "tpu.region"() ({
      %run_scoped3A_17 = tpu.sem_alloc : memref<!tpu.dma_semaphore, #tpu.memory_space<semaphore_mem>>
      %dma_start3A_18 = arith.constant 0 : i32
      %dma_start3A_19 = tpu.memref_slice %arg6[%arg0, %mul3A_2, %dma_start3A_18] : memref<2x10240x128xf32, #tpu.memory_space<hbm>> -> memref<1x640x128xf32, #tpu.memory_space<hbm>>
      %dma_start3A_20 = tpu.memref_squeeze %dma_start3A_19 : memref<1x640x128xf32, #tpu.memory_space<hbm>> -> memref<640x128xf32, #tpu.memory_space<hbm>>
      %dma_start3A_21 = arith.constant 0 : i32
      %dma_start3A_22 = tpu.memref_slice %arg11[%mul3A_2, %dma_start3A_21] : memref<10240x128xf32, #tpu.memory_space<vmem_shared>> -> memref<640x128xf32, #tpu.memory_space<vmem_shared>>
      tpu.enqueue_dma source(%dma_start3A_22 : memref<640x128xf32, #tpu.memory_space<vmem_shared>>) target(%dma_start3A_20 : memref<640x128xf32, #tpu.memory_space<hbm>>) target_semaphore(%run_scoped3A_17 : memref<!tpu.dma_semaphore, #tpu.memory_space<semaphore_mem>>)
      %dma_wait3A_23 = arith.constant 0 : i32
      %dma_wait3A_24 = tpu.memref_slice %arg6[%arg0, %mul3A_2, %dma_wait3A_23] : memref<2x10240x128xf32, #tpu.memory_space<hbm>> -> memref<1x640x128xf32, #tpu.memory_space<hbm>>
      %dma_wait3A_25 = tpu.memref_squeeze %dma_wait3A_24 : memref<1x640x128xf32, #tpu.memory_space<hbm>> -> memref<640x128xf32, #tpu.memory_space<hbm>>
      %dma_wait3A_26 = arith.constant 0 : i32
      %dma_wait3A_27 = tpu.memref_slice %arg11[%mul3A_2, %dma_wait3A_26] : memref<10240x128xf32, #tpu.memory_space<vmem_shared>> -> memref<640x128xf32, #tpu.memory_space<vmem_shared>>
      tpu.wait_dma2 semaphore(%run_scoped3A_17 : memref<!tpu.dma_semaphore, #tpu.memory_space<semaphore_mem>>) src(%dma_wait3A_27 : memref<640x128xf32, #tpu.memory_space<vmem_shared>>) dst(%dma_wait3A_25 : memref<640x128xf32, #tpu.memory_space<hbm>>)
      tpu.yield
    }) : () -> ()
    return
  }
}

module attributes {stable_mosaic.version = 14 : i64} {
  func.func @_pre_body(%arg0: memref<10000x128xf32, #tpu.memory_space<vmem>>, %arg1: memref<128x64xf32, #tpu.memory_space<vmem>>, %arg2: memref<1x64xf32, #tpu.memory_space<vmem>>, %arg3: memref<10000x64xf32, #tpu.memory_space<vmem>>) attributes {dimension_semantics = [], scalar_prefetch = 0 : i64, scratch_operands = 0 : i64, tpu.core_type = #tpu.core_type<tc>} {
    %get3A = arith.constant 0 : index
    %get3A_0 = arith.constant 0 : index
    %get3A_1 = vector.load %arg0[%get3A, %get3A_0] : memref<10000x128xf32, #tpu.memory_space<vmem>>, vector<10000x128xf32>
    %get3A_2 = arith.constant 0 : index
    %get3A_3 = arith.constant 0 : index
    %get3A_4 = vector.load %arg1[%get3A_2, %get3A_3] : memref<128x64xf32, #tpu.memory_space<vmem>>, vector<128x64xf32>
    %dot_general3A = arith.constant dense<0.000000e+00> : vector<10000x64xf32>
    %dot_general3A_5 = tpu.matmul %get3A_1, %get3A_4, %dot_general3A {dimension_numbers = #tpu.dot_dimension_numbers<[1], [0], [0], [1], [0, 0, 1, 1], [], []>, transpose_lhs_hint = false} : vector<10000x128xf32>, vector<128x64xf32>, vector<10000x64xf32> -> vector<10000x64xf32>
    %get3A_6 = arith.constant 0 : index
    %get3A_7 = arith.constant 0 : index
    %get3A_8 = vector.load %arg2[%get3A_6, %get3A_7] : memref<1x64xf32, #tpu.memory_space<vmem>>, vector<1x64xf32>
    %add3A = vector.broadcast %get3A_8 : vector<1x64xf32> to vector<10000x64xf32>
    %add3A_9 = arith.addf %dot_general3A_5, %add3A : vector<10000x64xf32>
    %swap3A = arith.constant 0 : index
    %swap3A_10 = arith.constant 0 : index
    %swap3A_11 = vector.load %arg3[%swap3A, %swap3A_10] : memref<10000x64xf32, #tpu.memory_space<vmem>>, vector<10000x64xf32>
    tpu.vector_store %arg3[%swap3A, %swap3A_10], %add3A_9 {strides = array<i32>} : memref<10000x64xf32, #tpu.memory_space<vmem>>, vector<10000x64xf32>,
    return
  }
}

module attributes {stable_mosaic.version = 14 : i64} {
  func.func @_mid_body(%arg0: memref<2x10240x128xf32, #tpu.memory_space<vmem>>, %arg1: memref<10000x64xf32, #tpu.memory_space<vmem>>, %arg2: memref<128x64xf32, #tpu.memory_space<vmem>>, %arg3: memref<64x64xf32, #tpu.memory_space<vmem>>, %arg4: memref<1x64xf32, #tpu.memory_space<vmem>>, %arg5: memref<10000x128xf32, #tpu.memory_space<vmem>>, %arg6: memref<10000x64xf32, #tpu.memory_space<vmem>>) attributes {dimension_semantics = [], scalar_prefetch = 0 : i64, scratch_operands = 0 : i64, tpu.core_type = #tpu.core_type<tc>} {
    %get3A = arith.constant 0 : index
    %get3A_0 = arith.constant 0 : index
    %get3A_1 = arith.constant 0 : index
    %get3A_2 = vector.load %arg0[%get3A, %get3A_0, %get3A_1] : memref<2x10240x128xf32, #tpu.memory_space<vmem>>, vector<1x10000x128xf32>
    %get3A_3 = vector.shape_cast %get3A_2 : vector<1x10000x128xf32> to vector<10000x128xf32>
    %get3A_4 = arith.constant 1 : index
    %get3A_5 = arith.constant 0 : index
    %get3A_6 = arith.constant 0 : index
    %get3A_7 = vector.load %arg0[%get3A_4, %get3A_5, %get3A_6] : memref<2x10240x128xf32, #tpu.memory_space<vmem>>, vector<1x10000x128xf32>
    %get3A_8 = vector.shape_cast %get3A_7 : vector<1x10000x128xf32> to vector<10000x128xf32>
    %add3A = arith.addf %get3A_3, %get3A_8 : vector<10000x128xf32>
    %get3A_9 = arith.constant 0 : index
    %get3A_10 = arith.constant 0 : index
    %get3A_11 = vector.load %arg2[%get3A_9, %get3A_10] : memref<128x64xf32, #tpu.memory_space<vmem>>, vector<128x64xf32>
    %dot_general3A = arith.constant dense<0.000000e+00> : vector<10000x64xf32>
    %dot_general3A_12 = tpu.matmul %add3A, %get3A_11, %dot_general3A {dimension_numbers = #tpu.dot_dimension_numbers<[1], [0], [0], [1], [0, 0, 1, 1], [], []>, transpose_lhs_hint = false} : vector<10000x128xf32>, vector<128x64xf32>, vector<10000x64xf32> -> vector<10000x64xf32>
    %get3A_13 = arith.constant 0 : index
    %get3A_14 = arith.constant 0 : index
    %get3A_15 = vector.load %arg1[%get3A_13, %get3A_14] : memref<10000x64xf32, #tpu.memory_space<vmem>>, vector<10000x64xf32>
    %add3A_16 = arith.addf %dot_general3A_12, %get3A_15 : vector<10000x64xf32>
    %max3A = arith.constant 0.000000e+00 : f32
    %max3A_17 = vector.broadcast %max3A : f32 to vector<10000x64xf32>
    %max3A_18 = arith.maximumf %add3A_16, %max3A_17 : vector<10000x64xf32>
    %broadcast_in_dim3A = arith.constant 0.000000e+00 : f32
    %broadcast_in_dim3A_19 = vector.broadcast %broadcast_in_dim3A : f32 to vector<10000x64xf32>
    %concatenate3A = tpu.concatenate %max3A_18, %broadcast_in_dim3A_19 in 1 : vector<10000x64xf32>, vector<10000x64xf32> -> vector<10000x128xf32>
    %swap3A = arith.constant 0 : index
    %swap3A_20 = arith.constant 0 : index
    %swap3A_21 = vector.load %arg5[%swap3A, %swap3A_20] : memref<10000x128xf32, #tpu.memory_space<vmem>>, vector<10000x128xf32>
    tpu.vector_store %arg5[%swap3A, %swap3A_20], %concatenate3A {strides = array<i32>} : memref<10000x128xf32, #tpu.memory_space<vmem>>, vector<10000x128xf32>,
    %get3A_22 = arith.constant 0 : index
    %get3A_23 = arith.constant 0 : index
    %get3A_24 = vector.load %arg3[%get3A_22, %get3A_23] : memref<64x64xf32, #tpu.memory_space<vmem>>, vector<64x64xf32>
    %dot_general3A_25 = arith.constant dense<0.000000e+00> : vector<10000x64xf32>
    %dot_general3A_26 = tpu.matmul %max3A_18, %get3A_24, %dot_general3A_25 {dimension_numbers = #tpu.dot_dimension_numbers<[1], [0], [0], [1], [0, 0, 1, 1], [], []>, transpose_lhs_hint = false} : vector<10000x64xf32>, vector<64x64xf32>, vector<10000x64xf32> -> vector<10000x64xf32>
    %get3A_27 = arith.constant 0 : index
    %get3A_28 = arith.constant 0 : index
    %get3A_29 = vector.load %arg4[%get3A_27, %get3A_28] : memref<1x64xf32, #tpu.memory_space<vmem>>, vector<1x64xf32>
    %add3A_30 = vector.broadcast %get3A_29 : vector<1x64xf32> to vector<10000x64xf32>
    %add3A_31 = arith.addf %dot_general3A_26, %add3A_30 : vector<10000x64xf32>
    %swap3A_32 = arith.constant 0 : index
    %swap3A_33 = arith.constant 0 : index
    %swap3A_34 = vector.load %arg6[%swap3A_32, %swap3A_33] : memref<10000x64xf32, #tpu.memory_space<vmem>>, vector<10000x64xf32>
    tpu.vector_store %arg6[%swap3A_32, %swap3A_33], %add3A_31 {strides = array<i32>} : memref<10000x64xf32, #tpu.memory_space<vmem>>, vector<10000x64xf32>,
    return
  }
}

module attributes {stable_mosaic.version = 14 : i64} {
  func.func @_pool_body(%arg0: memref<2x10240x128xf32, #tpu.memory_space<vmem>>, %arg1: memref<10000x64xf32, #tpu.memory_space<vmem>>, %arg2: memref<64x64xf32, #tpu.memory_space<vmem>>, %arg3: memref<1x10000xi32, #tpu.memory_space<vmem>>, %arg4: memref<64x2xf32, #tpu.memory_space<vmem>>, %arg5: memref<1x2xf32, #tpu.memory_space<vmem>>, %arg6: memref<512x2xf32, #tpu.memory_space<vmem>>) attributes {dimension_semantics = [], scalar_prefetch = 0 : i64, scratch_operands = 0 : i64, tpu.core_type = #tpu.core_type<tc>} {
    %get3A = arith.constant 0 : index
    %get3A_0 = arith.constant 0 : index
    %get3A_1 = arith.constant 0 : index
    %get3A_2 = vector.load %arg0[%get3A, %get3A_0, %get3A_1] : memref<2x10240x128xf32, #tpu.memory_space<vmem>>, vector<1x10000x64xf32>
    %get3A_3 = vector.shape_cast %get3A_2 : vector<1x10000x64xf32> to vector<10000x64xf32>
    %get3A_4 = arith.constant 1 : index
    %get3A_5 = arith.constant 0 : index
    %get3A_6 = arith.constant 0 : index
    %get3A_7 = vector.load %arg0[%get3A_4, %get3A_5, %get3A_6] : memref<2x10240x128xf32, #tpu.memory_space<vmem>>, vector<1x10000x64xf32>
    %get3A_8 = vector.shape_cast %get3A_7 : vector<1x10000x64xf32> to vector<10000x64xf32>
    %add3A = arith.addf %get3A_3, %get3A_8 : vector<10000x64xf32>
    %get3A_9 = arith.constant 0 : index
    %get3A_10 = arith.constant 0 : index
    %get3A_11 = vector.load %arg2[%get3A_9, %get3A_10] : memref<64x64xf32, #tpu.memory_space<vmem>>, vector<64x64xf32>
    %dot_general3A = arith.constant dense<0.000000e+00> : vector<10000x64xf32>
    %dot_general3A_12 = tpu.matmul %add3A, %get3A_11, %dot_general3A {dimension_numbers = #tpu.dot_dimension_numbers<[1], [0], [0], [1], [0, 0, 1, 1], [], []>, transpose_lhs_hint = false} : vector<10000x64xf32>, vector<64x64xf32>, vector<10000x64xf32> -> vector<10000x64xf32>
    %get3A_13 = arith.constant 0 : index
    %get3A_14 = arith.constant 0 : index
    %get3A_15 = vector.load %arg1[%get3A_13, %get3A_14] : memref<10000x64xf32, #tpu.memory_space<vmem>>, vector<10000x64xf32>
    %add3A_16 = arith.addf %dot_general3A_12, %get3A_15 : vector<10000x64xf32>
    %max3A = arith.constant 0.000000e+00 : f32
    %max3A_17 = vector.broadcast %max3A : f32 to vector<10000x64xf32>
    %max3A_18 = arith.maximumf %add3A_16, %max3A_17 : vector<10000x64xf32>
    %iota3A = tpu.iota {dimensions = array<i32: 0>} : vector<512x1xi32>
    %broadcast_in_dim3A = arith.constant 0.000000e+00 : f32
    %broadcast_in_dim3A_19 = vector.broadcast %broadcast_in_dim3A : f32 to vector<512x64xf32>
    %broadcast_in_dim3A_20 = arith.constant 0.000000e+00 : f32
    %broadcast_in_dim3A_21 = vector.broadcast %broadcast_in_dim3A_20 : f32 to vector<512x1xf32>
    %get3A_22 = arith.constant 0 : index
    %get3A_23 = arith.constant 0 : index
    %get3A_24 = vector.load %arg3[%get3A_22, %get3A_23] : memref<1x10000xi32, #tpu.memory_space<vmem>>, vector<1x1000xi32>
    %eq3A = vector.broadcast %iota3A : vector<512x1xi32> to vector<512x1000xi32>
    %eq3A_25 = vector.broadcast %get3A_24 : vector<1x1000xi32> to vector<512x1000xi32>
    %eq3A_26 = arith.cmpi eq, %eq3A, %eq3A_25 : vector<512x1000xi32>
    %convert_element_type3A = arith.extui %eq3A_26 : vector<512x1000xi1> to vector<512x1000xi32>
    %convert_element_type3A_27 = arith.sitofp %convert_element_type3A : vector<512x1000xi32> to vector<512x1000xf32>
    %slice3A = vector.extract_strided_slice %max3A_18 {offsets = [0, 0], sizes = [1000, 64], strides = [1, 1]} : vector<10000x64xf32> to vector<1000x64xf32>
    %dot_general3A_28 = arith.constant dense<0.000000e+00> : vector<512x64xf32>
    %dot_general3A_29 = tpu.matmul %convert_element_type3A_27, %slice3A, %dot_general3A_28 {dimension_numbers = #tpu.dot_dimension_numbers<[1], [0], [0], [1], [0, 0, 1, 1], [], []>, precision = #tpu.contract_precision<fp32>, transpose_lhs_hint = false} : vector<512x1000xf32>, vector<1000x64xf32>, vector<512x64xf32> -> vector<512x64xf32>
    %add3A_30 = arith.addf %broadcast_in_dim3A_19, %dot_general3A_29 : vector<512x64xf32>
    %reduce_sum3A = arith.constant dense<0.000000e+00> : vector<512xf32>
    %reduce_sum3A_31 = vector.multi_reduction <add>, %convert_element_type3A_27, %reduce_sum3A [1] : vector<512x1000xf32> to vector<512xf32>
    %broadcast_in_dim3A_32 = vector.shape_cast %reduce_sum3A_31 : vector<512xf32> to vector<512x1xf32>
    %add3A_33 = arith.addf %broadcast_in_dim3A_21, %broadcast_in_dim3A_32 : vector<512x1xf32>
    %get3A_34 = arith.constant 0 : index
    %get3A_35 = arith.constant 1000 : index
    %get3A_36 = vector.load %arg3[%get3A_34, %get3A_35] : memref<1x10000xi32, #tpu.memory_space<vmem>>, vector<1x1000xi32>
    %eq3A_37 = vector.broadcast %iota3A : vector<512x1xi32> to vector<512x1000xi32>
    %eq3A_38 = vector.broadcast %get3A_36 : vector<1x1000xi32> to vector<512x1000xi32>
    %eq3A_39 = arith.cmpi eq, %eq3A_37, %eq3A_38 : vector<512x1000xi32>
    %convert_element_type3A_40 = arith.extui %eq3A_39 : vector<512x1000xi1> to vector<512x1000xi32>
    %convert_element_type3A_41 = arith.sitofp %convert_element_type3A_40 : vector<512x1000xi32> to vector<512x1000xf32>
    %slice3A_42 = vector.extract_strided_slice %max3A_18 {offsets = [1000, 0], sizes = [1000, 64], strides = [1, 1]} : vector<10000x64xf32> to vector<1000x64xf32>
    %dot_general3A_43 = arith.constant dense<0.000000e+00> : vector<512x64xf32>
    %dot_general3A_44 = tpu.matmul %convert_element_type3A_41, %slice3A_42, %dot_general3A_43 {dimension_numbers = #tpu.dot_dimension_numbers<[1], [0], [0], [1], [0, 0, 1, 1], [], []>, precision = #tpu.contract_precision<fp32>, transpose_lhs_hint = false} : vector<512x1000xf32>, vector<1000x64xf32>, vector<512x64xf32> -> vector<512x64xf32>
    %add3A_45 = arith.addf %add3A_30, %dot_general3A_44 : vector<512x64xf32>
    %reduce_sum3A_46 = arith.constant dense<0.000000e+00> : vector<512xf32>
    %reduce_sum3A_47 = vector.multi_reduction <add>, %convert_element_type3A_41, %reduce_sum3A_46 [1] : vector<512x1000xf32> to vector<512xf32>
    %broadcast_in_dim3A_48 = vector.shape_cast %reduce_sum3A_47 : vector<512xf32> to vector<512x1xf32>
    %add3A_49 = arith.addf %add3A_33, %broadcast_in_dim3A_48 : vector<512x1xf32>
    %get3A_50 = arith.constant 0 : index
    %get3A_51 = arith.constant 2000 : index
    %get3A_52 = vector.load %arg3[%get3A_50, %get3A_51] : memref<1x10000xi32, #tpu.memory_space<vmem>>, vector<1x1000xi32>
    %eq3A_53 = vector.broadcast %iota3A : vector<512x1xi32> to vector<512x1000xi32>
    %eq3A_54 = vector.broadcast %get3A_52 : vector<1x1000xi32> to vector<512x1000xi32>
    %eq3A_55 = arith.cmpi eq, %eq3A_53, %eq3A_54 : vector<512x1000xi32>
    %convert_element_type3A_56 = arith.extui %eq3A_55 : vector<512x1000xi1> to vector<512x1000xi32>
    %convert_element_type3A_57 = arith.sitofp %convert_element_type3A_56 : vector<512x1000xi32> to vector<512x1000xf32>
    %slice3A_58 = vector.extract_strided_slice %max3A_18 {offsets = [2000, 0], sizes = [1000, 64], strides = [1, 1]} : vector<10000x64xf32> to vector<1000x64xf32>
    %dot_general3A_59 = arith.constant dense<0.000000e+00> : vector<512x64xf32>
    %dot_general3A_60 = tpu.matmul %convert_element_type3A_57, %slice3A_58, %dot_general3A_59 {dimension_numbers = #tpu.dot_dimension_numbers<[1], [0], [0], [1], [0, 0, 1, 1], [], []>, precision = #tpu.contract_precision<fp32>, transpose_lhs_hint = false} : vector<512x1000xf32>, vector<1000x64xf32>, vector<512x64xf32> -> vector<512x64xf32>
    %add3A_61 = arith.addf %add3A_45, %dot_general3A_60 : vector<512x64xf32>
    %reduce_sum3A_62 = arith.constant dense<0.000000e+00> : vector<512xf32>
    %reduce_sum3A_63 = vector.multi_reduction <add>, %convert_element_type3A_57, %reduce_sum3A_62 [1] : vector<512x1000xf32> to vector<512xf32>
    %broadcast_in_dim3A_64 = vector.shape_cast %reduce_sum3A_63 : vector<512xf32> to vector<512x1xf32>
    %add3A_65 = arith.addf %add3A_49, %broadcast_in_dim3A_64 : vector<512x1xf32>
    %get3A_66 = arith.constant 0 : index
    %get3A_67 = arith.constant 3000 : index
    %get3A_68 = vector.load %arg3[%get3A_66, %get3A_67] : memref<1x10000xi32, #tpu.memory_space<vmem>>, vector<1x1000xi32>
    %eq3A_69 = vector.broadcast %iota3A : vector<512x1xi32> to vector<512x1000xi32>
    %eq3A_70 = vector.broadcast %get3A_68 : vector<1x1000xi32> to vector<512x1000xi32>
    %eq3A_71 = arith.cmpi eq, %eq3A_69, %eq3A_70 : vector<512x1000xi32>
    %convert_element_type3A_72 = arith.extui %eq3A_71 : vector<512x1000xi1> to vector<512x1000xi32>
    %convert_element_type3A_73 = arith.sitofp %convert_element_type3A_72 : vector<512x1000xi32> to vector<512x1000xf32>
    %slice3A_74 = vector.extract_strided_slice %max3A_18 {offsets = [3000, 0], sizes = [1000, 64], strides = [1, 1]} : vector<10000x64xf32> to vector<1000x64xf32>
    %dot_general3A_75 = arith.constant dense<0.000000e+00> : vector<512x64xf32>
    %dot_general3A_76 = tpu.matmul %convert_element_type3A_73, %slice3A_74, %dot_general3A_75 {dimension_numbers = #tpu.dot_dimension_numbers<[1], [0], [0], [1], [0, 0, 1, 1], [], []>, precision = #tpu.contract_precision<fp32>, transpose_lhs_hint = false} : vector<512x1000xf32>, vector<1000x64xf32>, vector<512x64xf32> -> vector<512x64xf32>
    %add3A_77 = arith.addf %add3A_61, %dot_general3A_76 : vector<512x64xf32>
    %reduce_sum3A_78 = arith.constant dense<0.000000e+00> : vector<512xf32>
    %reduce_sum3A_79 = vector.multi_reduction <add>, %convert_element_type3A_73, %reduce_sum3A_78 [1] : vector<512x1000xf32> to vector<512xf32>
    %broadcast_in_dim3A_80 = vector.shape_cast %reduce_sum3A_79 : vector<512xf32> to vector<512x1xf32>
    %add3A_81 = arith.addf %add3A_65, %broadcast_in_dim3A_80 : vector<512x1xf32>
    %get3A_82 = arith.constant 0 : index
    %get3A_83 = arith.constant 4000 : index
    %get3A_84 = vector.load %arg3[%get3A_82, %get3A_83] : memref<1x10000xi32, #tpu.memory_space<vmem>>, vector<1x1000xi32>
    %eq3A_85 = vector.broadcast %iota3A : vector<512x1xi32> to vector<512x1000xi32>
    %eq3A_86 = vector.broadcast %get3A_84 : vector<1x1000xi32> to vector<512x1000xi32>
    %eq3A_87 = arith.cmpi eq, %eq3A_85, %eq3A_86 : vector<512x1000xi32>
    %convert_element_type3A_88 = arith.extui %eq3A_87 : vector<512x1000xi1> to vector<512x1000xi32>
    %convert_element_type3A_89 = arith.sitofp %convert_element_type3A_88 : vector<512x1000xi32> to vector<512x1000xf32>
    %slice3A_90 = vector.extract_strided_slice %max3A_18 {offsets = [4000, 0], sizes = [1000, 64], strides = [1, 1]} : vector<10000x64xf32> to vector<1000x64xf32>
    %dot_general3A_91 = arith.constant dense<0.000000e+00> : vector<512x64xf32>
    %dot_general3A_92 = tpu.matmul %convert_element_type3A_89, %slice3A_90, %dot_general3A_91 {dimension_numbers = #tpu.dot_dimension_numbers<[1], [0], [0], [1], [0, 0, 1, 1], [], []>, precision = #tpu.contract_precision<fp32>, transpose_lhs_hint = false} : vector<512x1000xf32>, vector<1000x64xf32>, vector<512x64xf32> -> vector<512x64xf32>
    %add3A_93 = arith.addf %add3A_77, %dot_general3A_92 : vector<512x64xf32>
    %reduce_sum3A_94 = arith.constant dense<0.000000e+00> : vector<512xf32>
    %reduce_sum3A_95 = vector.multi_reduction <add>, %convert_element_type3A_89, %reduce_sum3A_94 [1] : vector<512x1000xf32> to vector<512xf32>
    %broadcast_in_dim3A_96 = vector.shape_cast %reduce_sum3A_95 : vector<512xf32> to vector<512x1xf32>
    %add3A_97 = arith.addf %add3A_81, %broadcast_in_dim3A_96 : vector<512x1xf32>
    %get3A_98 = arith.constant 0 : index
    %get3A_99 = arith.constant 5000 : index
    %get3A_100 = vector.load %arg3[%get3A_98, %get3A_99] : memref<1x10000xi32, #tpu.memory_space<vmem>>, vector<1x1000xi32>
    %eq3A_101 = vector.broadcast %iota3A : vector<512x1xi32> to vector<512x1000xi32>
    %eq3A_102 = vector.broadcast %get3A_100 : vector<1x1000xi32> to vector<512x1000xi32>
    %eq3A_103 = arith.cmpi eq, %eq3A_101, %eq3A_102 : vector<512x1000xi32>
    %convert_element_type3A_104 = arith.extui %eq3A_103 : vector<512x1000xi1> to vector<512x1000xi32>
    %convert_element_type3A_105 = arith.sitofp %convert_element_type3A_104 : vector<512x1000xi32> to vector<512x1000xf32>
    %slice3A_106 = vector.extract_strided_slice %max3A_18 {offsets = [5000, 0], sizes = [1000, 64], strides = [1, 1]} : vector<10000x64xf32> to vector<1000x64xf32>
    %dot_general3A_107 = arith.constant dense<0.000000e+00> : vector<512x64xf32>
    %dot_general3A_108 = tpu.matmul %convert_element_type3A_105, %slice3A_106, %dot_general3A_107 {dimension_numbers = #tpu.dot_dimension_numbers<[1], [0], [0], [1], [0, 0, 1, 1], [], []>, precision = #tpu.contract_precision<fp32>, transpose_lhs_hint = false} : vector<512x1000xf32>, vector<1000x64xf32>, vector<512x64xf32> -> vector<512x64xf32>
    %add3A_109 = arith.addf %add3A_93, %dot_general3A_108 : vector<512x64xf32>
    %reduce_sum3A_110 = arith.constant dense<0.000000e+00> : vector<512xf32>
    %reduce_sum3A_111 = vector.multi_reduction <add>, %convert_element_type3A_105, %reduce_sum3A_110 [1] : vector<512x1000xf32> to vector<512xf32>
    %broadcast_in_dim3A_112 = vector.shape_cast %reduce_sum3A_111 : vector<512xf32> to vector<512x1xf32>
    %add3A_113 = arith.addf %add3A_97, %broadcast_in_dim3A_112 : vector<512x1xf32>
    %get3A_114 = arith.constant 0 : index
    %get3A_115 = arith.constant 6000 : index
    %get3A_116 = vector.load %arg3[%get3A_114, %get3A_115] : memref<1x10000xi32, #tpu.memory_space<vmem>>, vector<1x1000xi32>
    %eq3A_117 = vector.broadcast %iota3A : vector<512x1xi32> to vector<512x1000xi32>
    %eq3A_118 = vector.broadcast %get3A_116 : vector<1x1000xi32> to vector<512x1000xi32>
    %eq3A_119 = arith.cmpi eq, %eq3A_117, %eq3A_118 : vector<512x1000xi32>
    %convert_element_type3A_120 = arith.extui %eq3A_119 : vector<512x1000xi1> to vector<512x1000xi32>
    %convert_element_type3A_121 = arith.sitofp %convert_element_type3A_120 : vector<512x1000xi32> to vector<512x1000xf32>
    %slice3A_122 = vector.extract_strided_slice %max3A_18 {offsets = [6000, 0], sizes = [1000, 64], strides = [1, 1]} : vector<10000x64xf32> to vector<1000x64xf32>
    %dot_general3A_123 = arith.constant dense<0.000000e+00> : vector<512x64xf32>
    %dot_general3A_124 = tpu.matmul %convert_element_type3A_121, %slice3A_122, %dot_general3A_123 {dimension_numbers = #tpu.dot_dimension_numbers<[1], [0], [0], [1], [0, 0, 1, 1], [], []>, precision = #tpu.contract_precision<fp32>, transpose_lhs_hint = false} : vector<512x1000xf32>, vector<1000x64xf32>, vector<512x64xf32> -> vector<512x64xf32>
    %add3A_125 = arith.addf %add3A_109, %dot_general3A_124 : vector<512x64xf32>
    %reduce_sum3A_126 = arith.constant dense<0.000000e+00> : vector<512xf32>
    %reduce_sum3A_127 = vector.multi_reduction <add>, %convert_element_type3A_121, %reduce_sum3A_126 [1] : vector<512x1000xf32> to vector<512xf32>
    %broadcast_in_dim3A_128 = vector.shape_cast %reduce_sum3A_127 : vector<512xf32> to vector<512x1xf32>
    %add3A_129 = arith.addf %add3A_113, %broadcast_in_dim3A_128 : vector<512x1xf32>
    %get3A_130 = arith.constant 0 : index
    %get3A_131 = arith.constant 7000 : index
    %get3A_132 = vector.load %arg3[%get3A_130, %get3A_131] : memref<1x10000xi32, #tpu.memory_space<vmem>>, vector<1x1000xi32>
    %eq3A_133 = vector.broadcast %iota3A : vector<512x1xi32> to vector<512x1000xi32>
    %eq3A_134 = vector.broadcast %get3A_132 : vector<1x1000xi32> to vector<512x1000xi32>
    %eq3A_135 = arith.cmpi eq, %eq3A_133, %eq3A_134 : vector<512x1000xi32>
    %convert_element_type3A_136 = arith.extui %eq3A_135 : vector<512x1000xi1> to vector<512x1000xi32>
    %convert_element_type3A_137 = arith.sitofp %convert_element_type3A_136 : vector<512x1000xi32> to vector<512x1000xf32>
    %slice3A_138 = vector.extract_strided_slice %max3A_18 {offsets = [7000, 0], sizes = [1000, 64], strides = [1, 1]} : vector<10000x64xf32> to vector<1000x64xf32>
    %dot_general3A_139 = arith.constant dense<0.000000e+00> : vector<512x64xf32>
    %dot_general3A_140 = tpu.matmul %convert_element_type3A_137, %slice3A_138, %dot_general3A_139 {dimension_numbers = #tpu.dot_dimension_numbers<[1], [0], [0], [1], [0, 0, 1, 1], [], []>, precision = #tpu.contract_precision<fp32>, transpose_lhs_hint = false} : vector<512x1000xf32>, vector<1000x64xf32>, vector<512x64xf32> -> vector<512x64xf32>
    %add3A_141 = arith.addf %add3A_125, %dot_general3A_140 : vector<512x64xf32>
    %reduce_sum3A_142 = arith.constant dense<0.000000e+00> : vector<512xf32>
    %reduce_sum3A_143 = vector.multi_reduction <add>, %convert_element_type3A_137, %reduce_sum3A_142 [1] : vector<512x1000xf32> to vector<512xf32>
    %broadcast_in_dim3A_144 = vector.shape_cast %reduce_sum3A_143 : vector<512xf32> to vector<512x1xf32>
    %add3A_145 = arith.addf %add3A_129, %broadcast_in_dim3A_144 : vector<512x1xf32>
    %get3A_146 = arith.constant 0 : index
    %get3A_147 = arith.constant 8000 : index
    %get3A_148 = vector.load %arg3[%get3A_146, %get3A_147] : memref<1x10000xi32, #tpu.memory_space<vmem>>, vector<1x1000xi32>
    %eq3A_149 = vector.broadcast %iota3A : vector<512x1xi32> to vector<512x1000xi32>
    %eq3A_150 = vector.broadcast %get3A_148 : vector<1x1000xi32> to vector<512x1000xi32>
    %eq3A_151 = arith.cmpi eq, %eq3A_149, %eq3A_150 : vector<512x1000xi32>
    %convert_element_type3A_152 = arith.extui %eq3A_151 : vector<512x1000xi1> to vector<512x1000xi32>
    %convert_element_type3A_153 = arith.sitofp %convert_element_type3A_152 : vector<512x1000xi32> to vector<512x1000xf32>
    %slice3A_154 = vector.extract_strided_slice %max3A_18 {offsets = [8000, 0], sizes = [1000, 64], strides = [1, 1]} : vector<10000x64xf32> to vector<1000x64xf32>
    %dot_general3A_155 = arith.constant dense<0.000000e+00> : vector<512x64xf32>
    %dot_general3A_156 = tpu.matmul %convert_element_type3A_153, %slice3A_154, %dot_general3A_155 {dimension_numbers = #tpu.dot_dimension_numbers<[1], [0], [0], [1], [0, 0, 1, 1], [], []>, precision = #tpu.contract_precision<fp32>, transpose_lhs_hint = false} : vector<512x1000xf32>, vector<1000x64xf32>, vector<512x64xf32> -> vector<512x64xf32>
    %add3A_157 = arith.addf %add3A_141, %dot_general3A_156 : vector<512x64xf32>
    %reduce_sum3A_158 = arith.constant dense<0.000000e+00> : vector<512xf32>
    %reduce_sum3A_159 = vector.multi_reduction <add>, %convert_element_type3A_153, %reduce_sum3A_158 [1] : vector<512x1000xf32> to vector<512xf32>
    %broadcast_in_dim3A_160 = vector.shape_cast %reduce_sum3A_159 : vector<512xf32> to vector<512x1xf32>
    %add3A_161 = arith.addf %add3A_145, %broadcast_in_dim3A_160 : vector<512x1xf32>
    %get3A_162 = arith.constant 0 : index
    %get3A_163 = arith.constant 9000 : index
    %get3A_164 = vector.load %arg3[%get3A_162, %get3A_163] : memref<1x10000xi32, #tpu.memory_space<vmem>>, vector<1x1000xi32>
    %eq3A_165 = vector.broadcast %iota3A : vector<512x1xi32> to vector<512x1000xi32>
    %eq3A_166 = vector.broadcast %get3A_164 : vector<1x1000xi32> to vector<512x1000xi32>
    %eq3A_167 = arith.cmpi eq, %eq3A_165, %eq3A_166 : vector<512x1000xi32>
    %convert_element_type3A_168 = arith.extui %eq3A_167 : vector<512x1000xi1> to vector<512x1000xi32>
    %convert_element_type3A_169 = arith.sitofp %convert_element_type3A_168 : vector<512x1000xi32> to vector<512x1000xf32>
    %slice3A_170 = vector.extract_strided_slice %max3A_18 {offsets = [9000, 0], sizes = [1000, 64], strides = [1, 1]} : vector<10000x64xf32> to vector<1000x64xf32>
    %dot_general3A_171 = arith.constant dense<0.000000e+00> : vector<512x64xf32>
    %dot_general3A_172 = tpu.matmul %convert_element_type3A_169, %slice3A_170, %dot_general3A_171 {dimension_numbers = #tpu.dot_dimension_numbers<[1], [0], [0], [1], [0, 0, 1, 1], [], []>, precision = #tpu.contract_precision<fp32>, transpose_lhs_hint = false} : vector<512x1000xf32>, vector<1000x64xf32>, vector<512x64xf32> -> vector<512x64xf32>
    %add3A_173 = arith.addf %add3A_157, %dot_general3A_172 : vector<512x64xf32>
    %reduce_sum3A_174 = arith.constant dense<0.000000e+00> : vector<512xf32>
    %reduce_sum3A_175 = vector.multi_reduction <add>, %convert_element_type3A_169, %reduce_sum3A_174 [1] : vector<512x1000xf32> to vector<512xf32>
    %broadcast_in_dim3A_176 = vector.shape_cast %reduce_sum3A_175 : vector<512xf32> to vector<512x1xf32>
    %add3A_177 = arith.addf %add3A_161, %broadcast_in_dim3A_176 : vector<512x1xf32>
    %max3A_178 = arith.constant 1.000000e+00 : f32
    %max3A_179 = vector.broadcast %max3A_178 : f32 to vector<512x1xf32>
    %max3A_180 = arith.maximumf %add3A_177, %max3A_179 : vector<512x1xf32>
    %div3A = vector.broadcast %max3A_180 : vector<512x1xf32> to vector<512x64xf32>
    %div3A_181 = arith.divf %add3A_173, %div3A : vector<512x64xf32>
    %get3A_182 = arith.constant 0 : index
    %get3A_183 = arith.constant 0 : index
    %get3A_184 = vector.load %arg4[%get3A_182, %get3A_183] : memref<64x2xf32, #tpu.memory_space<vmem>>, vector<64x2xf32>
    %dot_general3A_185 = arith.constant dense<0.000000e+00> : vector<512x2xf32>
    %dot_general3A_186 = tpu.matmul %div3A_181, %get3A_184, %dot_general3A_185 {dimension_numbers = #tpu.dot_dimension_numbers<[1], [0], [0], [1], [0, 0, 1, 1], [], []>, precision = #tpu.contract_precision<fp32>, transpose_lhs_hint = false} : vector<512x64xf32>, vector<64x2xf32>, vector<512x2xf32> -> vector<512x2xf32>
    %get3A_187 = arith.constant 0 : index
    %get3A_188 = arith.constant 0 : index
    %get3A_189 = vector.load %arg5[%get3A_187, %get3A_188] : memref<1x2xf32, #tpu.memory_space<vmem>>, vector<1x2xf32>
    %add3A_190 = vector.broadcast %get3A_189 : vector<1x2xf32> to vector<512x2xf32>
    %add3A_191 = arith.addf %dot_general3A_186, %add3A_190 : vector<512x2xf32>
    %swap3A = arith.constant 0 : index
    %swap3A_192 = arith.constant 0 : index
    %swap3A_193 = vector.load %arg6[%swap3A, %swap3A_192] : memref<512x2xf32, #tpu.memory_space<vmem>>, vector<512x2xf32>
    tpu.vector_store %arg6[%swap3A, %swap3A_192], %add3A_191 {strides = array<i32>} : memref<512x2xf32, #tpu.memory_space<vmem>>, vector<512x2xf32>,
    return
  }
}

</mosaic_0001>

<sc_bundles>
// kernel: kernel.10.cloned.1.call-start
scs
__scs_entry_jumppad:
0x0: {  	(pc) =	sbr.rel $0x88, $3  }
0x1: {  	(tag) =	ssettag $0x0;
	lr =	simm.s32 $0x1  }
0x2: {  	[smem:$0x3F96] =	sst lr;
	_ =	strace $0xD0000000  }
0x3: {  	_ = 	snop  }
0x4: {  	_ = 	snop  }
0x5: {  	_ = 	snop  }
0x6: {  	_ = 	snop  }
0x7: {  	_ = 	snop  }
__scs_overlays_trampoline_lowered:
0x8: {  	[smem:$0x3FA5] =	sst s0  }
0x9: {  	[smem:$0x3FA6] =	sst s1  }
0xa: {  	[smem:$0x3FA7] =	sst s2  }
0xb: {  	[smem:$0x3FA8] =	sst s3  }
0xc: {  	[smem:$0x3FA9] =	sst s4  }
0xd: {  	[smem:$0x3FAA] =	sst s5  }
0xe: {  	[smem:$0x3FAB] =	sst s6  }
0xf: {  	[smem:$0x3FAC] =	sst s7  }
0x10: {  	[smem:$0x3FAD] =	sst s8  }
0x11: {  	[smem:$0x3FAE] =	sst s9;
	s0 =	simm.s32 @!p0 $0x0  }
0x12: {  	s1 =	sld [smem:$0x3F94];
	s0 =	simm.s32 @p0 $0x1  }
0x13: {  	[smem:$0x3FAF] =	sst s0;
	s0 =	simm.s32 @!p1 $0x0  }
0x14: {  	s2 =	sld [smem:$0x3F93];
	s0 =	simm.s32 @p1 $0x1  }
0x15: {  	[smem:$0x3FB0] =	sst s0;
	s0 =	simm.s32 @!p2 $0x0  }
0x16: {  	s3 =	sld [smem:$0x3FDB];
	s0 =	simm.s32 @p2 $0x1  }
0x17: {  	s4 =	simm.s32 $0x1BF5;
	[smem:$0x3FB2] =	sst s0  }
0x18: {  	s0 =	sld [smem:$0x3F95];
	_ =	swait.ge [sflag:s4], $0x0  }
0x19: {  	s7 =	sld [smem:$0x3F96]  }
0x1a: {  	s8 =	sadd.s32 $0xFFFFE003, lr  }
0x1b: {  	s9 =	sadd.s32 $0xFFFFFEF7, lr;
	s5 =	simm.s32 $0xFFFFFFFF;
	p2 =	slt.u32 s8, $0xFFFFF086  }
0x1c: {  	p1 =	slt.u32 s9, $0xF7A;
	s5 =	simm.s32 @!p2 $0x0  }
0x1d: {  	s5 =	simm.s32 @p1 $0x1;
	p0 =	seq.s32 s7, s2  }
0x1e: {  	s7 =	smul.u32 @!p0 $0xF7A, s2;
	p2 =	seq.s32 @!p0 s5, $0x0  }
0x1f: {  	s9 =	smul.u32 $0xF7A, s1;
	s8 =	simm.s32 @!p0 $0x1BF5;
	p2 =	por !p2, p0  }
0x20: {  	[sflag:s8] =	ssyncset.s32 @!p0 $0xFFFFF086;
	s6 =	sadd.s32 @!p0 s3, s7;
	s7 =	simm.s32 @!p0 $0x108  }
0x21: {  	s3 =	sadd.s32 s3, s9;
	s6 =	sadd.s32 @!p0 $0x88, s6;
	s7 =	simm.s32 @p2 $0x1082  }
0x22: {  	[simem:s7], [sflag:s8] =	dma.local @!p0 [hbm:s6], $0xF7A  }
0x23: {  	s9 =	sor.u32 $0xD0000000, s2;
	s6 =	simm.s32 $0x108;
	_ =	swait.ge @!p0 [sflag:s8], $0x0  }
0x24: {  	s3 =	sadd.s32 $0x88, s3;
	s6 =	simm.s32 @!p1 $0x1082;
	[sflag:s4] =	ssyncset.s32 $0xFFFFF086  }
0x25: {  	[simem:s6], [sflag:s4] =	dma.local [hbm:s3], $0xF7A  }
0x26: {  	[smem:$0x3F96] =	sst s1;
	(tag) =	ssettag s2;
	_ =	strace s9  }
0x27: {  	s1 =	sld [smem:$0x3FA6]  }
0x28: {  	s2 =	sld [smem:$0x3FA7]  }
0x29: {  	s4 =	sld [smem:$0x3FA9]  }
0x2a: {  	p0 =	seq.s32 s5, $0x0;
	s5 =	sld [smem:$0x3FAA]  }
0x2b: {  	s6 =	sld [smem:$0x3FAB]  }
0x2c: {  	s7 =	sld [smem:$0x3FAC]  }
0x2d: {  	s3 =	simm.s32 $0x108;
	s8 =	sld [smem:$0x3FAD]  }
0x2e: {  	s3 =	simm.s32 @!p0 $0x1082;
	s9 =	sld [smem:$0x3FAE]  }
0x2f: {  	lr =	sadd.s32 s0, s3;
	s0 =	sld [smem:$0x3FA5]  }
0x30: {  	s3 =	sld [smem:$0x3FA8]  }
0x31: {  	[smem:$0x3FB1] =	sst s10  }
0x32: {  	s10 =	sld [smem:$0x3FAF];
	_ =	sdelay $0x3  }
0x33: {  	p0 =	seq.s32 s10, $0x1;
	s10 =	sld [smem:$0x3FB1];
	_ =	sdelay $0x3  }
0x34: {  	[smem:$0x3FB1] =	sst s10  }
0x35: {  	s10 =	sld [smem:$0x3FB0];
	_ =	sdelay $0x3  }
0x36: {  	p1 =	seq.s32 s10, $0x1;
	s10 =	sld [smem:$0x3FB1];
	_ =	sdelay $0x3  }
0x37: {  	[smem:$0x3FB1] =	sst s10  }
0x38: {  	s10 =	sld [smem:$0x3FB2]  }
0x39: {  	_ = 	snop;
	(pc) =	sbr.ind lr, $3  }
0x3a: {  	_ = 	snop  }
0x3b: {  	_ = 	snop  }
0x3c: {  	p2 =	seq.s32 s10, $0x1;
	s10 =	sld [smem:$0x3FB1]  }
0x3d: {  	_ =	shalt  }
0x3e: {  	_ =	shalt  }
0x3f: {  	_ =	shalt  }
0x40: {  	_ =	shalt  }
0x41: {  	_ =	shalt  }
0x42: {  	_ =	shalt  }
0x43: {  	_ =	shalt  }
0x44: {  	_ =	shalt  }
0x45: {  	_ =	shalt  }
0x46: {  	_ =	shalt  }
0x47: {  	_ =	shalt  }
0x48: {  	_ =	shalt  }
0x49: {  	_ =	shalt  }
0x4a: {  	_ =	shalt  }
0x4b: {  	_ =	shalt  }
0x4c: {  	_ =	shalt  }
0x4d: {  	_ =	shalt  }
0x4e: {  	_ =	shalt  }
0x4f: {  	_ =	shalt  }
0x50: {  	_ =	shalt  }
0x51: {  	_ =	shalt  }
0x52: {  	_ =	shalt  }
0x53: {  	_ =	shalt  }
0x54: {  	_ =	shalt  }
0x55: {  	_ =	shalt  }
0x56: {  	_ =	shalt  }
0x57: {  	_ =	shalt  }
0x58: {  	_ =	shalt  }
0x59: {  	_ =	shalt  }
0x5a: {  	_ =	shalt  }
0x5b: {  	_ =	shalt  }
0x5c: {  	_ =	shalt  }
0x5d: {  	_ =	shalt  }
0x5e: {  	_ =	shalt  }
0x5f: {  	_ =	shalt  }
0x60: {  	_ =	shalt  }
0x61: {  	_ =	shalt  }
0x62: {  	_ =	shalt  }
0x63: {  	_ =	shalt  }
0x64: {  	_ =	shalt  }
0x65: {  	_ =	shalt  }
0x66: {  	_ =	shalt  }
0x67: {  	_ =	shalt  }
0x68: {  	_ =	shalt  }
0x69: {  	_ =	shalt  }
0x6a: {  	_ =	shalt  }
0x6b: {  	_ =	shalt  }
0x6c: {  	_ =	shalt  }
0x6d: {  	_ =	shalt  }
0x6e: {  	_ =	shalt  }
0x6f: {  	_ =	shalt  }
0x70: {  	_ =	shalt  }
0x71: {  	_ =	shalt  }
0x72: {  	_ =	shalt  }
0x73: {  	_ =	shalt  }
0x74: {  	_ =	shalt  }
0x75: {  	_ =	shalt  }
0x76: {  	_ =	shalt  }
0x77: {  	_ =	shalt  }
0x78: {  	_ =	shalt  }
0x79: {  	_ =	shalt  }
0x7a: {  	_ =	shalt  }
0x7b: {  	_ =	shalt  }
0x7c: {  	_ =	shalt  }
0x7d: {  	_ =	shalt  }
0x7e: {  	_ =	shalt  }
0x7f: {  	_ =	shalt  }
0x80: {  	_ =	shalt  }
0x81: {  	_ =	shalt  }
0x82: {  	_ =	shalt  }
0x83: {  	_ =	shalt  }
0x84: {  	_ =	shalt  }
0x85: {  	_ =	shalt  }
0x86: {  	_ =	shalt  }
0x87: {  	_ =	shalt  }
.Lfunc_end0:
.L_simem_size_0:
called_computation.1_lowered:
.L_overlay_start_0:
0x88: {  	s2 =	sld [smem:$0x3FD9]  }
0x89: {  	s3 =	sld [smem:$0x3FFE];
	_ =	sdelay $0x1  }
0x8a: {  	s1 =	srdreg.scid  }
0x8b: {  	s0 =	sand.u32 $0x1, s1  }
0x8c: {  	s16 =	sshll.u32 s0, $0xA;
	s2 =	sadd.s32 s3, s2  }
0x8d: {  	s2 =	sadd.s32 s2, s16  }
0x8e: {  	[smem:$0x3FBD] =	sst s2  }
0x8f: {  	_ = 	snop  }
0x90: {  	(tm) =	ssettm $0x1  }
0x91: {  	s17 =	sld [smem:$0x3FFB];
	_ =	sdelay $0x3  }
0x92: {  	_ =	strace s17  }
0x93: {  	s2 =	sld [smem:$0x3FFC];
	_ =	sdelay $0x3  }
0x94: {  	_ =	strace s2  }
0x95: {  	s2 =	sld [smem:$0x3FFD];
	_ =	sdelay $0x3  }
0x96: {  	_ =	strace s2  }
0x97: {  	_ =	strace $0x8FFFFFFF  }
0x98: {  	s18 =	sld [smem:$0x3FDB];
	_ =	sdelay $0x1  }
0x99: {  	s19 =	simm.s32 $_scs_section_size  }
0x9a: {  	s4 =	simm.s32 $_size__tile_overlayer_lowered;
	s5 =	simm.s32 $_tile_overlayer_lowered  }
0x9b: {  	s22 =	simm.s32 $0x1BFF;
	s21 =	sshll.u32 s5, $0x1;
	s2 =	sadd.s32 s19, s18  }
0x9c: {  	s6 =	simm.s32 $0x0;
	s20 =	sshll.u32 s4, $0x1;
	s4 =	sadd.s32 s21, s2  }
0x9d: {  	[timem:s6], [sflag:s22] =	dma.local [hbm:s4], s20  }
0x9e: {  	_ =	swait.ge [sflag:s22], s20  }
0x9f: {  	s3 =	ssub.s32 $0x0, s20;
	[sflag:s22] =	ssyncset.done $0x0  }
0xa0: {  	[sflag:s22] =	ssyncadd.s32 s3;
	_ =	sdelay $0x1  }
0xa1: {  	s23 =	simm.s32 $0x1B8B  }
0xa2: {  	_ =	swait.ge [sflag:s23], $0x1  }
0xa3: {  	[sflag:s23] =	ssyncset.done $0x0  }
0xa4: {  	s25 =	simm.s32 $0x1B8E;
	s24 =	sld [smem:$0x3FFE];
	[sflag:s23] =	ssyncadd.s32 $0xFFFFFFFF  }
0xa5: {  	s26 =	simm.s32 $execute0_lowered;
	[smem:$0x3FD2] =	sst s25  }
0xa6: {  	s4 =	sshll.u32 s26, $0x1;
	_ =	strace $0x80000049;
	[dreg:$0x1] =	wrdreg $0xFFFFFFFF  }
0xa7: {  	s28 =	simm.s32 $_size_execute0_lowered;
	s2 =	sadd.s32 s2, s4;
	[dreg:$0x0] =	wrdreg $0x0  }
0xa8: {  	s4 =	sshll.u32 s28, $0x1;
	[dreg:$0x2] =	wrdreg s2  }
0xa9: {  	[dreg:$0x3] =	wrdreg s4  }
0xaa: {  	[dreg:$0x4] =	wrdreg $0xC0  }
0xab: {  	_ =	task [dreg:s6], $0x5FFFF  }
0xac: {  	[dreg:$0x1] =	wrdreg $0xFFFFFFFF  }
0xad: {  	[dreg:$0x0] =	wrdreg $0x60  }
0xae: {  	[dreg:$0x2] =	wrdreg s24  }
0xaf: {  	[dreg:$0x3] =	wrdreg $0xB7800  }
0xb0: {  	[dreg:$0x4] =	wrdreg $0x9  }
0xb1: {  	_ =	task.clear_ibuf [dreg:s6], $0x5FFFF;
	_ =	strace $0x90000049  }
0xb2: {  	s29 =	simm.s32 $0x9;
	_ =	strace $0x8000004B  }
0xb3: {  	_ =	swait.ge [sflag:s29], $0x1  }
0xb4: {  	[sflag:s29] =	ssyncadd.s32 $0xFFFFFFFF  }
0xb5: {  	_ =	strace $0x9000004B  }
0xb6: {  	_ =	sfence  }
0xb7: {  	s30 =	sld [smem:$0x0];
	_ =	sdelay $0x2  }
0xb8: {  	s31 =	sshll.u32 s1, $0xD;
	s1 =	sshrl.u32 s1, $0x2  }
0xb9: {  	s3 =	sand.u32 $0x4000, s31;
	s1 =	sadd.s32 s1, s30  }
0xba: {  	s0 =	sor.u32 s3, s0;
	s1 =	sshll.u32 s1, $0x11  }
0xbb: {  	s0 =	sor.u32 s1, s0  }
0xbc: {  	s0 =	sadd.s32 $0x8F2B, s0  }
0xbd: {  	[sflag:s0] =	ssyncadd.remote.s32 $0x1  }
0xbe: {  	_ =	sfence.sel $0xFFFF  }
0xbf: {  	[dreg:$0x0] =	wrdreg $0xFFFFFFFF;
	(pc) =	sbr.abs _section_cstart, $3  }
0xc0: {  	[dreg:$0x1] =	wrdreg $0xFFFFFFFF  }
0xc1: {  	_ =	task.clear_ibuf [dreg:s6], $0x2FFFF;
	_ =	strace $0x9FFFFFFF  }
0xc2: {  	(tm) =	ssettm $0x7FFFFFFF  }
0xc3: {  	_ =	shalt  }
tec
execute0_lowered:
.L_overlay_start_1:
0x0: {  	(tag) =	ssettag $0x1  }
0x1: {  	s0 =	srdreg.scid;
	s6 =	rddreg [dreg:$0x0]  }
0x2: {  	s2 =	rddreg [dreg:$0x1];
	s3 =	simm.s32 $0x0;
	s13 =	simm.s32 $0x2780  }
0x3: {  	s16 =	simm.s32 $0x50;
	s17 =	simm.s32 $0x6780;
	s18 =	simm.s32 $0x8F80  }
0x4: {  	s19 =	simm.s32 $0x1;
	s20 =	simm.s32 $0x2;
	s21 =	simm.s32 $0x6580  }
0x5: {  	s22 =	simm.s32 $0x0;
	s5 =	sand.u32 $0x1, s0;
	s0 =	stileid.u32  }
0x6: {  	[smem:$0x7FF] =	sst s3;
	s1 =	sshll.u32 s5, $0x4;
	s29 =	smul.u32 $0x14000, s0  }
0x7: {  	s8 =	sshll.u32 s0, $0x7;
	s10 =	smul.u32 $0x140000, s5;
	s5 =	ssub.s32 $0x2, s5  }
0x8: {  	s12 =	smul.u32 $0x50000, s0;
	s14 =	sshll.u32 s0, $0x6;
	s4 =	sor.u32 s0, s1  }
0x9: {  	s1 =	rddreg [dreg:$0x2];
	s8 =	sand.u32 $0x380, s8;
	_ =	strace $0x8000004A  }
0xa: {  	s30 =	sshrl.u32 s5, $0x1;
	s14 =	sor.u32 $0x1C03, s14;
	s7 =	sshrl.u32 s4, $0x3  }
0xb: {  	s9 =	sshll.u32 s4, $0xB;
	s4 =	sadd.s32 $0x43E00, s6;
	s11 =	sshrl.u32 s29, $0x3  }
0xc: {  	s31 =	sshrl.u32 s12, $0x2;
	s12 =	simm.s32 $0x3;
	s7 =	smul.u32 $0x13C00, s7  }
0xd: {  	s9 =	sadd.s32 s9, s6;
	s11 =	sadd.s32 s11, s6;
	s15 =	sadd.s32 s31, s2  }
0xe: {  	s15 =	sshrl.u32 s15, $0x3;
	s7 =	sor.u32 s8, s7;
	s8 =	sadd.s32 s29, s10  }
0xf: {  	s10 =	ssub.s32 s5, s30;
	s7 =	sshrl.u32 s7, $0x3;
	s8 =	sshrl.u32 s8, $0x3  }
0x10: {  	s7 =	sadd.s32 s7, s6;
	s8 =	sadd.s32 s8, s6;
	s6 =	sadd.s32 $0x2000, s9  }
0x11: {  	s9 =	smax.u32 s10, $0x1;
	s10 =	simm.s32 $0x80;
	s5 =	sadd.s32 $0x12000, s7  }
0x12: {  	s7 =	sadd.s32 $0x1BE00, s11;
	s8 =	sadd.s32 $0x6B000, s8;
	s11 =	simm.s32 $0x400  }
.LBB2_1:
0x13: {  	[tilespmem:s3], [sflag:$0x3] =	stream.strided.gather [hbm4b:s5+s10], $0x2780, s11, s10, $0x38;
	[tilespmem:$0x1F780] =	vst v63  }
0x14: {  	_ =	swait.ge [sflag:s12], $0x2780  }
0x15: {  	[sflag:s12] =	ssyncset.done $0x0  }
0x16: {  	[sflag:s12] =	ssyncadd.s32 $0xFFFFD880  }
0x17: {  	[tilespmem:s13], [sflag:$0x3] =	stream.linear.gather [hbm4b:s6+s3], $0x3E80, $0x38;
	[tilespmem:$0x1F780] =	vst v63  }
0x18: {  	_ =	swait.ge [sflag:s12], $0x3E80  }
0x19: {  	[sflag:s12] =	ssyncset.done $0x0  }
0x1a: {  	[sflag:s12] =	ssyncadd.s32 $0xFFFFC180  }
0x1b: {  	[spmem:s15], [sflag:s14] =	dma.local [hbm:s7], $0x2800  }
0x1c: {  	_ =	swait.ge [sflag:s12], $0x2800  }
0x1d: {  	[sflag:s12] =	ssyncset.done $0x0  }
0x1e: {  	[sflag:s12] =	ssyncadd.s32 $0xFFFFD800  }
0x1f: {  	[bflag:$0x0] =	sbarrier.arrive $0xFFFF  }
0x20: {  	[tilespmem:s17], [sflag:$0x1] =	stream.indirect.gather [hbm4b:s4+s16], $0x80, s3, s16, $0xb8;
	[tilespmem:$0x1F780] =	vst v63  }
0x21: {  	s23 =	simm.s32 $0x50  }
0x22: {  	[tilespmem:s18], [sflag:$0x2] =	stream.indirect.gather [hbm4b:s4+s16], $0x80, s23, s16, $0xb8;
	[tilespmem:$0x1F780] =	vst v63  }
0x23: {  	_ =	swait.ge [sflag:s19], $0x2800  }
0x24: {  	[sflag:s19] =	ssyncset.done $0x0  }
0x25: {  	s29 =	simm.s32 $0x2780;
	[sflag:s19] =	ssyncadd.s32 $0xFFFFD800  }
0x26: {  	[spmem:s2] =	stream.indirect.scatter.add.f32 [tilespmem:s17], [sflag:$0x3], $0x80, s29, s16, $0xb8;
	[tilespmem:$0x1F780] =	vst v63  }
0x27: {  	_ =	swait.ge [sflag:s12], $0x2800  }
0x28: {  	[sflag:s12] =	ssyncset.done $0x0  }
0x29: {  	s30 =	simm.s32 $0xA0;
	[sflag:s12] =	ssyncadd.s32 $0xFFFFD800  }
0x2a: {  	[tilespmem:s17], [sflag:$0x1] =	stream.indirect.gather [hbm4b:s4+s16], $0x80, s30, s16, $0xb8;
	[tilespmem:$0x1F780] =	vst v63  }
0x2b: {  	_ =	swait.ge [sflag:s20], $0x2800  }
0x2c: {  	[sflag:s20] =	ssyncset.done $0x0  }
0x2d: {  	s31 =	simm.s32 $0x2800;
	[sflag:s20] =	ssyncadd.s32 $0xFFFFD800  }
0x2e: {  	[spmem:s2] =	stream.indirect.scatter.add.f32 [tilespmem:s18], [sflag:$0x3], $0x80, s31, s16, $0xb8;
	[tilespmem:$0x1F780] =	vst v63  }
0x2f: {  	s24 =	simm.s32 $0x400;
	_ =	swait.ge [sflag:s12], $0x2800  }
0x30: {  	s25 =	simm.s32 $0x800;
	s23 =	simm.s32 $0x140;
	[sflag:s12] =	ssyncset.done $0x0  }
.LBB2_2:
0x31: {  	p0 =	sne.s32 s25, $0xF400;
	s26 =	sadd.s32 $0xFFFFFFB0, s23;
	[sflag:s12] =	ssyncadd.s32 $0xFFFFD800  }
0x32: {  	[tilespmem:s18], [sflag:$0x2] =	stream.indirect.gather [hbm4b:s4+s16], $0x80, s26, s16, $0xb8;
	[tilespmem:$0x1F780] =	vst v63  }
0x33: {  	s26 =	smov.u32 s25;
	s25 =	sadd.s32 $0x400, s25;
	_ =	swait.ge [sflag:s19], $0x2800  }
0x34: {  	s28 =	sshra.s32 s24, $0x2;
	s24 =	smov.u32 s26;
	[sflag:s19] =	ssyncset.done $0x0  }
0x35: {  	s26 =	sadd.s32 $0x2780, s28;
	[sflag:s19] =	ssyncadd.s32 $0xFFFFD800  }
0x36: {  	[spmem:s2] =	stream.indirect.scatter.add.f32 [tilespmem:s17], [sflag:$0x3], $0x80, s26, s16, $0xb8;
	[tilespmem:$0x1F780] =	vst v63  }
0x37: {  	_ =	swait.ge [sflag:s12], $0x2800  }
0x38: {  	[sflag:s12] =	ssyncset.done $0x0  }
0x39: {  	[sflag:s12] =	ssyncadd.s32 $0xFFFFD800  }
0x3a: {  	[tilespmem:s17], [sflag:$0x1] =	stream.indirect.gather [hbm4b:s4+s16], $0x80, s23, s16, $0xb8;
	[tilespmem:$0x1F780] =	vst v63  }
0x3b: {  	_ =	swait.ge [sflag:s20], $0x2800  }
.Ltmp0:
0x3c: {  	[sflag:s20] =	ssyncset.done $0x0;
	(pc) =	sbr.rel @p0 .LBB2_2-.Ltmp0, $4  }
0x3d: {  	s26 =	sadd.s32 $0x2800, s28;
	[sflag:s20] =	ssyncadd.s32 $0xFFFFD800  }
0x3e: {  	[spmem:s2] =	stream.indirect.scatter.add.f32 [tilespmem:s18], [sflag:$0x3], $0x80, s26, s16, $0xb8;
	[tilespmem:$0x1F780] =	vst v63  }
0x3f: {  	_ =	swait.ge [sflag:s12], $0x2800  }
0x40: {  	s23 =	sadd.s32 $0xA0, s23;
	[sflag:s12] =	ssyncset.done $0x0  }
0x41: {  	s25 =	sadd.s32 $0xFFFFFFB0, s23;
	[sflag:s12] =	ssyncadd.s32 $0xFFFFD800  }
0x42: {  	[tilespmem:s18], [sflag:$0x2] =	stream.indirect.gather [hbm4b:s4+s16], $0x80, s25, s16, $0xb8;
	[tilespmem:$0x1F780] =	vst v63  }
0x43: {  	_ =	swait.ge [sflag:s19], $0x2800  }
0x44: {  	s24 =	sshra.s32 s24, $0x2;
	[sflag:s19] =	ssyncset.done $0x0  }
0x45: {  	s30 =	sadd.s32 $0x2780, s24;
	[sflag:s19] =	ssyncadd.s32 $0xFFFFD800  }
0x46: {  	[spmem:s2] =	stream.indirect.scatter.add.f32 [tilespmem:s17], [sflag:$0x3], $0x80, s30, s16, $0xb8;
	[tilespmem:$0x1F780] =	vst v63  }
0x47: {  	_ =	swait.ge [sflag:s12], $0x2800  }
0x48: {  	[sflag:s12] =	ssyncset.done $0x0  }
0x49: {  	[sflag:s12] =	ssyncadd.s32 $0xFFFFD800  }
0x4a: {  	[tilespmem:s17], [sflag:$0x1] =	stream.indirect.gather [hbm4b:s4+s16], $0x80, s23, s16, $0xb8;
	[tilespmem:$0x1F780] =	vst v63  }
0x4b: {  	_ =	swait.ge [sflag:s20], $0x2800  }
0x4c: {  	[sflag:s20] =	ssyncset.done $0x0  }
0x4d: {  	s31 =	sadd.s32 $0x2800, s24;
	[sflag:s20] =	ssyncadd.s32 $0xFFFFD800  }
0x4e: {  	[spmem:s2] =	stream.indirect.scatter.add.f32 [tilespmem:s18], [sflag:$0x3], $0x80, s31, s16, $0xb8;
	[tilespmem:$0x1F780] =	vst v63  }
0x4f: {  	_ =	swait.ge [sflag:s12], $0x2800  }
0x50: {  	[sflag:s12] =	ssyncset.done $0x0  }
0x51: {  	[sflag:s12] =	ssyncadd.s32 $0xFFFFD800  }
0x52: {  	_ =	swait.ge [sflag:s19], $0x2800  }
0x53: {  	[sflag:s19] =	ssyncset.done $0x0  }
0x54: {  	[sflag:s19] =	ssyncadd.s32 $0xFFFFD800  }
0x55: {  	[spmem:s2] =	stream.indirect.scatter.add.f32 [tilespmem:s17], [sflag:$0x3], $0x80, s21, s16, $0xb8;
	[tilespmem:$0x1F780] =	vst v63  }
0x56: {  	_ =	swait.ge [sflag:s12], $0x2800  }
0x57: {  	s22 =	sadd.s32 $0x1, s22;
	[sflag:s12] =	ssyncset.done $0x0  }
0x58: {  	p0 =	sne.s32 s22, s9;
	[sflag:s12] =	ssyncadd.s32 $0xFFFFD800  }
.Ltmp1:
0x59: {  	[bflag:$0x0] =	sbarrier.arrive $0xFFFF;
	(pc) =	sbr.rel @p0 .LBB2_1-.Ltmp1, $4  }
0x5a: {  	[hbm:s8], [sflag:s14] =	dma.local [spmem:s15], $0x2800  }
0x5b: {  	_ =	swait.ge [sflag:s12], $0x2800  }
0x5c: {  	[sflag:s12] =	ssyncset.done $0x0  }
0x5d: {  	[sflag:s12] =	ssyncadd.s32 $0xFFFFD800  }
0x5e: {  	_ =	sfence.sel $0x180000  }
0x5f: {  	[bflag:$0x0] =	sbarrier.arrive $0xFFFF  }
0x60: {  	p0 =	sne.s32 s0, $0x0;
	_ =	strace $0x9000004A  }
0x61: {  	s0 =	sadd.s32 @!p0 $0x100000, s1;
	[bflag:$0x2] =	sbarrier.arrive $0xFFFF  }
0x62: {  	[sflag:s0] =	ssyncadd.tile.s32 @!p0 $0x1;
	_ =	shalt  }
.Lfunc_end2:
_tile_overlayer_lowered:
.L_overlay_start_2:
0x63: {  	(tag) =	ssettag $0x2  }
0x64: {  	s0 =	rddreg [dreg:$0x0];
	s2 =	stileid.u32  }
0x65: {  	s1 =	rddreg [dreg:$0x1];
	p0 =	sne.s32 s2, $0x0  }
0x66: {  	s3 =	rddreg [dreg:$0x2];
	[bflag:$0x3] =	sbarrier.arrive $0xFFFF;
	s2 =	simm.s32 @!p0 $0x1C03  }
0x67: {  	[timem:s3], [sflag:s2] =	dma.local @!p0 [hbm:s0], s1  }
0x68: {  	s0 =	simm.s32 @!p0 $0x3  }
0x69: {  	_ =	swait.ge @!p0 [sflag:s0], s1  }
0x6a: {  	s1 =	ssub.s32 @!p0 $0x0, s1;
	[sflag:s0] =	ssyncset.done @!p0 $0x0  }
0x6b: {  	[sflag:s0] =	ssyncadd.s32 @!p0 s1  }
0x6c: {  	[bflag:$0x3] =	sbarrier.arrive $0xFFFF  }
0x6d: {  	_ =	shalt  }

// kernel: kernel.7.cloned.1.call-start
scs
__scs_entry_jumppad:
0x0: {  	(pc) =	sbr.rel $0x88, $3  }
0x1: {  	(tag) =	ssettag $0x0;
	lr =	simm.s32 $0x1  }
0x2: {  	[smem:$0x3F96] =	sst lr;
	_ =	strace $0xD0000000  }
0x3: {  	_ = 	snop  }
0x4: {  	_ = 	snop  }
0x5: {  	_ = 	snop  }
0x6: {  	_ = 	snop  }
0x7: {  	_ = 	snop  }
__scs_overlays_trampoline_lowered:
0x8: {  	[smem:$0x3FA5] =	sst s0  }
0x9: {  	[smem:$0x3FA6] =	sst s1  }
0xa: {  	[smem:$0x3FA7] =	sst s2  }
0xb: {  	[smem:$0x3FA8] =	sst s3  }
0xc: {  	[smem:$0x3FA9] =	sst s4  }
0xd: {  	[smem:$0x3FAA] =	sst s5  }
0xe: {  	[smem:$0x3FAB] =	sst s6  }
0xf: {  	[smem:$0x3FAC] =	sst s7  }
0x10: {  	[smem:$0x3FAD] =	sst s8  }
0x11: {  	[smem:$0x3FAE] =	sst s9;
	s0 =	simm.s32 @!p0 $0x0  }
0x12: {  	s1 =	sld [smem:$0x3F94];
	s0 =	simm.s32 @p0 $0x1  }
0x13: {  	[smem:$0x3FAF] =	sst s0;
	s0 =	simm.s32 @!p1 $0x0  }
0x14: {  	s2 =	sld [smem:$0x3F93];
	s0 =	simm.s32 @p1 $0x1  }
0x15: {  	[smem:$0x3FB0] =	sst s0;
	s0 =	simm.s32 @!p2 $0x0  }
0x16: {  	s3 =	sld [smem:$0x3FDB];
	s0 =	simm.s32 @p2 $0x1  }
0x17: {  	s4 =	simm.s32 $0x1BF5;
	[smem:$0x3FB2] =	sst s0  }
0x18: {  	s0 =	sld [smem:$0x3F95];
	_ =	swait.ge [sflag:s4], $0x0  }
0x19: {  	s7 =	sld [smem:$0x3F96]  }
0x1a: {  	s8 =	sadd.s32 $0xFFFFE003, lr  }
0x1b: {  	s9 =	sadd.s32 $0xFFFFFEF7, lr;
	s5 =	simm.s32 $0xFFFFFFFF;
	p2 =	slt.u32 s8, $0xFFFFF086  }
0x1c: {  	p1 =	slt.u32 s9, $0xF7A;
	s5 =	simm.s32 @!p2 $0x0  }
0x1d: {  	s5 =	simm.s32 @p1 $0x1;
	p0 =	seq.s32 s7, s2  }
0x1e: {  	s7 =	smul.u32 @!p0 $0xF7A, s2;
	p2 =	seq.s32 @!p0 s5, $0x0  }
0x1f: {  	s9 =	smul.u32 $0xF7A, s1;
	s8 =	simm.s32 @!p0 $0x1BF5;
	p2 =	por !p2, p0  }
0x20: {  	[sflag:s8] =	ssyncset.s32 @!p0 $0xFFFFF086;
	s6 =	sadd.s32 @!p0 s3, s7;
	s7 =	simm.s32 @!p0 $0x108  }
0x21: {  	s3 =	sadd.s32 s3, s9;
	s6 =	sadd.s32 @!p0 $0x88, s6;
	s7 =	simm.s32 @p2 $0x1082  }
0x22: {  	[simem:s7], [sflag:s8] =	dma.local @!p0 [hbm:s6], $0xF7A  }
0x23: {  	s9 =	sor.u32 $0xD0000000, s2;
	s6 =	simm.s32 $0x108;
	_ =	swait.ge @!p0 [sflag:s8], $0x0  }
0x24: {  	s3 =	sadd.s32 $0x88, s3;
	s6 =	simm.s32 @!p1 $0x1082;
	[sflag:s4] =	ssyncset.s32 $0xFFFFF086  }
0x25: {  	[simem:s6], [sflag:s4] =	dma.local [hbm:s3], $0xF7A  }
0x26: {  	[smem:$0x3F96] =	sst s1;
	(tag) =	ssettag s2;
	_ =	strace s9  }
0x27: {  	s1 =	sld [smem:$0x3FA6]  }
0x28: {  	s2 =	sld [smem:$0x3FA7]  }
0x29: {  	s4 =	sld [smem:$0x3FA9]  }
0x2a: {  	p0 =	seq.s32 s5, $0x0;
	s5 =	sld [smem:$0x3FAA]  }
0x2b: {  	s6 =	sld [smem:$0x3FAB]  }
0x2c: {  	s7 =	sld [smem:$0x3FAC]  }
0x2d: {  	s3 =	simm.s32 $0x108;
	s8 =	sld [smem:$0x3FAD]  }
0x2e: {  	s3 =	simm.s32 @!p0 $0x1082;
	s9 =	sld [smem:$0x3FAE]  }
0x2f: {  	lr =	sadd.s32 s0, s3;
	s0 =	sld [smem:$0x3FA5]  }
0x30: {  	s3 =	sld [smem:$0x3FA8]  }
0x31: {  	[smem:$0x3FB1] =	sst s10  }
0x32: {  	s10 =	sld [smem:$0x3FAF];
	_ =	sdelay $0x3  }
0x33: {  	p0 =	seq.s32 s10, $0x1;
	s10 =	sld [smem:$0x3FB1];
	_ =	sdelay $0x3  }
0x34: {  	[smem:$0x3FB1] =	sst s10  }
0x35: {  	s10 =	sld [smem:$0x3FB0];
	_ =	sdelay $0x3  }
0x36: {  	p1 =	seq.s32 s10, $0x1;
	s10 =	sld [smem:$0x3FB1];
	_ =	sdelay $0x3  }
0x37: {  	[smem:$0x3FB1] =	sst s10  }
0x38: {  	s10 =	sld [smem:$0x3FB2]  }
0x39: {  	_ = 	snop;
	(pc) =	sbr.ind lr, $3  }
0x3a: {  	_ = 	snop  }
0x3b: {  	_ = 	snop  }
0x3c: {  	p2 =	seq.s32 s10, $0x1;
	s10 =	sld [smem:$0x3FB1]  }
0x3d: {  	_ =	shalt  }
0x3e: {  	_ =	shalt  }
0x3f: {  	_ =	shalt  }
0x40: {  	_ =	shalt  }
0x41: {  	_ =	shalt  }
0x42: {  	_ =	shalt  }
0x43: {  	_ =	shalt  }
0x44: {  	_ =	shalt  }
0x45: {  	_ =	shalt  }
0x46: {  	_ =	shalt  }
0x47: {  	_ =	shalt  }
0x48: {  	_ =	shalt  }
0x49: {  	_ =	shalt  }
0x4a: {  	_ =	shalt  }
0x4b: {  	_ =	shalt  }
0x4c: {  	_ =	shalt  }
0x4d: {  	_ =	shalt  }
0x4e: {  	_ =	shalt  }
0x4f: {  	_ =	shalt  }
0x50: {  	_ =	shalt  }
0x51: {  	_ =	shalt  }
0x52: {  	_ =	shalt  }
0x53: {  	_ =	shalt  }
0x54: {  	_ =	shalt  }
0x55: {  	_ =	shalt  }
0x56: {  	_ =	shalt  }
0x57: {  	_ =	shalt  }
0x58: {  	_ =	shalt  }
0x59: {  	_ =	shalt  }
0x5a: {  	_ =	shalt  }
0x5b: {  	_ =	shalt  }
0x5c: {  	_ =	shalt  }
0x5d: {  	_ =	shalt  }
0x5e: {  	_ =	shalt  }
0x5f: {  	_ =	shalt  }
0x60: {  	_ =	shalt  }
0x61: {  	_ =	shalt  }
0x62: {  	_ =	shalt  }
0x63: {  	_ =	shalt  }
0x64: {  	_ =	shalt  }
0x65: {  	_ =	shalt  }
0x66: {  	_ =	shalt  }
0x67: {  	_ =	shalt  }
0x68: {  	_ =	shalt  }
0x69: {  	_ =	shalt  }
0x6a: {  	_ =	shalt  }
0x6b: {  	_ =	shalt  }
0x6c: {  	_ =	shalt  }
0x6d: {  	_ =	shalt  }
0x6e: {  	_ =	shalt  }
0x6f: {  	_ =	shalt  }
0x70: {  	_ =	shalt  }
0x71: {  	_ =	shalt  }
0x72: {  	_ =	shalt  }
0x73: {  	_ =	shalt  }
0x74: {  	_ =	shalt  }
0x75: {  	_ =	shalt  }
0x76: {  	_ =	shalt  }
0x77: {  	_ =	shalt  }
0x78: {  	_ =	shalt  }
0x79: {  	_ =	shalt  }
0x7a: {  	_ =	shalt  }
0x7b: {  	_ =	shalt  }
0x7c: {  	_ =	shalt  }
0x7d: {  	_ =	shalt  }
0x7e: {  	_ =	shalt  }
0x7f: {  	_ =	shalt  }
0x80: {  	_ =	shalt  }
0x81: {  	_ =	shalt  }
0x82: {  	_ =	shalt  }
0x83: {  	_ =	shalt  }
0x84: {  	_ =	shalt  }
0x85: {  	_ =	shalt  }
0x86: {  	_ =	shalt  }
0x87: {  	_ =	shalt  }
.Lfunc_end0:
.L_simem_size_0:
called_computation_lowered:
.L_overlay_start_0:
0x88: {  	s2 =	sld [smem:$0x3FD9]  }
0x89: {  	s3 =	sld [smem:$0x3FFE];
	_ =	sdelay $0x1  }
0x8a: {  	s1 =	srdreg.scid  }
0x8b: {  	s0 =	sand.u32 $0x1, s1  }
0x8c: {  	s17 =	sshll.u32 s0, $0xA;
	s2 =	sadd.s32 s3, s2  }
0x8d: {  	s2 =	sadd.s32 s2, s17  }
0x8e: {  	[smem:$0x3FBD] =	sst s2  }
0x8f: {  	_ = 	snop  }
0x90: {  	s2 =	sld [smem:$0x3FC9];
	(tm) =	ssettm $0x1  }
0x91: {  	s18 =	sld [smem:$0x3FFB];
	_ =	sdelay $0x3  }
0x92: {  	_ =	strace s18  }
0x93: {  	s3 =	sld [smem:$0x3FFC];
	_ =	sdelay $0x3  }
0x94: {  	_ =	strace s3  }
0x95: {  	s3 =	sld [smem:$0x3FFD];
	_ =	sdelay $0x3  }
0x96: {  	_ =	strace s3  }
0x97: {  	_ =	strace $0x8FFFFFFF  }
0x98: {  	s19 =	sld [smem:$0x3FDB];
	_ =	sdelay $0x1  }
0x99: {  	s4 =	simm.s32 $_scs_section_size  }
0x9a: {  	s5 =	simm.s32 $_size__tile_overlayer_lowered;
	s6 =	simm.s32 $_tile_overlayer_lowered  }
0x9b: {  	s22 =	simm.s32 $0x1BFF;
	s21 =	sshll.u32 s6, $0x1;
	s3 =	sadd.s32 s4, s19  }
0x9c: {  	s7 =	simm.s32 $0x0;
	s20 =	sshll.u32 s5, $0x1;
	s5 =	sadd.s32 s21, s3  }
0x9d: {  	[timem:s7], [sflag:s22] =	dma.local [hbm:s5], s20  }
0x9e: {  	_ =	swait.ge [sflag:s22], s20  }
0x9f: {  	s4 =	ssub.s32 $0x0, s20;
	[sflag:s22] =	ssyncset.done $0x0  }
0xa0: {  	[sflag:s22] =	ssyncadd.s32 s4;
	_ =	sdelay $0x1  }
0xa1: {  	s23 =	simm.s32 $0x1B8B  }
0xa2: {  	_ =	swait.ge [sflag:s23], $0x1  }
0xa3: {  	[sflag:s23] =	ssyncset.done $0x0  }
0xa4: {  	s25 =	simm.s32 $0x1B8E;
	s24 =	sld [smem:$0x3FFE];
	[sflag:s23] =	ssyncadd.s32 $0xFFFFFFFF  }
0xa5: {  	s26 =	simm.s32 $execute0_lowered;
	[smem:$0x3FD2] =	sst s25  }
0xa6: {  	s5 =	sshll.u32 s26, $0x1;
	_ =	strace $0x80000046;
	[dreg:$0x1] =	wrdreg $0xFFFFFFFF  }
0xa7: {  	s28 =	simm.s32 $_size_execute0_lowered;
	s3 =	sadd.s32 s3, s5;
	[dreg:$0x0] =	wrdreg $0x0  }
0xa8: {  	s5 =	sshll.u32 s28, $0x1;
	[dreg:$0x2] =	wrdreg s3  }
0xa9: {  	[dreg:$0x3] =	wrdreg s5  }
0xaa: {  	[dreg:$0x4] =	wrdreg $0xC0  }
0xab: {  	_ =	task [dreg:s7], $0x5FFFF  }
0xac: {  	[dreg:$0x1] =	wrdreg $0xFFFFFFFF  }
0xad: {  	[dreg:$0x0] =	wrdreg $0x60  }
0xae: {  	[dreg:$0x2] =	wrdreg s2  }
0xaf: {  	[dreg:$0x3] =	wrdreg s24  }
0xb0: {  	[dreg:$0x4] =	wrdreg $0xB7800  }
0xb1: {  	[dreg:$0x5] =	wrdreg $0x9  }
0xb2: {  	_ =	task.clear_ibuf [dreg:s7], $0x6FFFF;
	_ =	strace $0x90000046  }
0xb3: {  	s29 =	simm.s32 $0x9;
	_ =	strace $0x80000048  }
0xb4: {  	_ =	swait.ge [sflag:s29], $0x1  }
0xb5: {  	[sflag:s29] =	ssyncadd.s32 $0xFFFFFFFF  }
0xb6: {  	_ =	strace $0x90000048  }
0xb7: {  	_ =	sfence  }
0xb8: {  	s30 =	sld [smem:$0x0];
	_ =	sdelay $0x2  }
0xb9: {  	s31 =	sshll.u32 s1, $0xD;
	s1 =	sshrl.u32 s1, $0x2  }
0xba: {  	s3 =	sand.u32 $0x4000, s31;
	s1 =	sadd.s32 s1, s30  }
0xbb: {  	s0 =	sor.u32 s3, s0;
	s1 =	sshll.u32 s1, $0x11  }
0xbc: {  	s0 =	sor.u32 s1, s0  }
0xbd: {  	s0 =	sadd.s32 $0x8F2B, s0  }
0xbe: {  	[sflag:s0] =	ssyncadd.remote.s32 $0x1  }
0xbf: {  	_ =	sfence.sel $0xFFFF  }
0xc0: {  	[dreg:$0x0] =	wrdreg $0xFFFFFFFF;
	(pc) =	sbr.abs _section_cstart, $3  }
0xc1: {  	[dreg:$0x1] =	wrdreg $0xFFFFFFFF  }
0xc2: {  	_ =	task.clear_ibuf [dreg:s7], $0x2FFFF;
	_ =	strace $0x9FFFFFFF  }
0xc3: {  	(tm) =	ssettm $0x7FFFFFFF  }
tec
execute0_lowered:
.L_overlay_start_1:
0x0: {  	(tag) =	ssettag $0x1  }
0x1: {  	s1 =	rddreg [dreg:$0x0]  }
0x2: {  	s7 =	rddreg [dreg:$0x1]  }
0x3: {  	s0 =	srdreg.scid;
	s3 =	rddreg [dreg:$0x2];
	s4 =	simm.s32 $0x0  }
0x4: {  	s13 =	simm.s32 $0x2780;
	s16 =	simm.s32 $0x50;
	s17 =	simm.s32 $0x6780  }
0x5: {  	s18 =	simm.s32 $0x8F80;
	s19 =	simm.s32 $0x1;
	s20 =	simm.s32 $0x2  }
0x6: {  	s21 =	simm.s32 $0x6580;
	s5 =	sand.u32 $0x1, s0;
	s0 =	stileid.u32  }
0x7: {  	s22 =	simm.s32 $0x0;
	[smem:$0x7FF] =	sst s4;
	s29 =	smul.u32 $0x14000, s0  }
0x8: {  	s2 =	sshll.u32 s5, $0x4;
	s9 =	sshll.u32 s0, $0x7;
	s10 =	smul.u32 $0x140000, s5  }
0x9: {  	s5 =	ssub.s32 $0x2, s5;
	s12 =	smul.u32 $0x50000, s0;
	s14 =	sshll.u32 s0, $0x6  }
0xa: {  	s6 =	sor.u32 s0, s2;
	s9 =	sand.u32 $0x380, s9;
	s30 =	sshrl.u32 s5, $0x1  }
0xb: {  	s14 =	sor.u32 $0x1C03, s14;
	s2 =	sshrl.u32 s6, $0x3;
	s6 =	sshll.u32 s6, $0xB  }
0xc: {  	s11 =	sshrl.u32 s29, $0x3;
	s31 =	sshrl.u32 s12, $0x2;
	s12 =	simm.s32 $0x3  }
0xd: {  	s8 =	smul.u32 $0x13C00, s2;
	s2 =	rddreg [dreg:$0x3];
	_ =	strace $0x80000047  }
0xe: {  	s6 =	sadd.s32 s6, s7;
	s11 =	sadd.s32 s11, s7;
	s15 =	sadd.s32 s31, s3  }
0xf: {  	s6 =	sadd.s32 $0x2000, s6;
	s8 =	sor.u32 s9, s8;
	s9 =	sadd.s32 s29, s10  }
0x10: {  	s15 =	sshrl.u32 s15, $0x3;
	s8 =	sshrl.u32 s8, $0x3;
	s9 =	sshrl.u32 s9, $0x3  }
0x11: {  	s10 =	ssub.s32 s5, s30;
	s8 =	sadd.s32 s8, s7;
	s9 =	sadd.s32 s9, s7  }
0x12: {  	s7 =	sadd.s32 $0x1BE00, s11;
	s11 =	simm.s32 $0x400;
	s5 =	sadd.s32 $0x12000, s8  }
0x13: {  	s8 =	sadd.s32 $0x43E00, s9;
	s9 =	smax.u32 s10, $0x1;
	s10 =	simm.s32 $0x80  }
.LBB2_1:
0x14: {  	[tilespmem:s4], [sflag:$0x3] =	stream.strided.gather [hbm4b:s5+s10], $0x2780, s11, s10, $0x38;
	[tilespmem:$0x1F780] =	vst v63  }
0x15: {  	_ =	swait.ge [sflag:s12], $0x2780  }
0x16: {  	[sflag:s12] =	ssyncset.done $0x0  }
0x17: {  	[sflag:s12] =	ssyncadd.s32 $0xFFFFD880  }
0x18: {  	[tilespmem:s13], [sflag:$0x3] =	stream.linear.gather [hbm4b:s6+s4], $0x3E80, $0x38;
	[tilespmem:$0x1F780] =	vst v63  }
0x19: {  	_ =	swait.ge [sflag:s12], $0x3E80  }
0x1a: {  	[sflag:s12] =	ssyncset.done $0x0  }
0x1b: {  	[sflag:s12] =	ssyncadd.s32 $0xFFFFC180  }
0x1c: {  	[spmem:s15], [sflag:s14] =	dma.local [hbm:s7], $0x2800  }
0x1d: {  	_ =	swait.ge [sflag:s12], $0x2800  }
0x1e: {  	[sflag:s12] =	ssyncset.done $0x0  }
0x1f: {  	[sflag:s12] =	ssyncadd.s32 $0xFFFFD800  }
0x20: {  	[bflag:$0x0] =	sbarrier.arrive $0xFFFF  }
0x21: {  	[tilespmem:s17], [sflag:$0x1] =	stream.indirect.gather [hbm4b:s1+s16], $0x80, s4, s16, $0xb8;
	[tilespmem:$0x1F780] =	vst v63  }
0x22: {  	s23 =	simm.s32 $0x50  }
0x23: {  	[tilespmem:s18], [sflag:$0x2] =	stream.indirect.gather [hbm4b:s1+s16], $0x80, s23, s16, $0xb8;
	[tilespmem:$0x1F780] =	vst v63  }
0x24: {  	_ =	swait.ge [sflag:s19], $0x2800  }
0x25: {  	[sflag:s19] =	ssyncset.done $0x0  }
0x26: {  	s29 =	simm.s32 $0x2780;
	[sflag:s19] =	ssyncadd.s32 $0xFFFFD800  }
0x27: {  	[spmem:s3] =	stream.indirect.scatter.add.f32 [tilespmem:s17], [sflag:$0x3], $0x80, s29, s16, $0xb8;
	[tilespmem:$0x1F780] =	vst v63  }
0x28: {  	_ =	swait.ge [sflag:s12], $0x2800  }
0x29: {  	[sflag:s12] =	ssyncset.done $0x0  }
0x2a: {  	s30 =	simm.s32 $0xA0;
	[sflag:s12] =	ssyncadd.s32 $0xFFFFD800  }
0x2b: {  	[tilespmem:s17], [sflag:$0x1] =	stream.indirect.gather [hbm4b:s1+s16], $0x80, s30, s16, $0xb8;
	[tilespmem:$0x1F780] =	vst v63  }
0x2c: {  	_ =	swait.ge [sflag:s20], $0x2800  }
0x2d: {  	[sflag:s20] =	ssyncset.done $0x0  }
0x2e: {  	s31 =	simm.s32 $0x2800;
	[sflag:s20] =	ssyncadd.s32 $0xFFFFD800  }
0x2f: {  	[spmem:s3] =	stream.indirect.scatter.add.f32 [tilespmem:s18], [sflag:$0x3], $0x80, s31, s16, $0xb8;
	[tilespmem:$0x1F780] =	vst v63  }
0x30: {  	s24 =	simm.s32 $0x400;
	_ =	swait.ge [sflag:s12], $0x2800  }
0x31: {  	s25 =	simm.s32 $0x800;
	s23 =	simm.s32 $0x140;
	[sflag:s12] =	ssyncset.done $0x0  }
.LBB2_2:
0x32: {  	p0 =	sne.s32 s25, $0xF400;
	s26 =	sadd.s32 $0xFFFFFFB0, s23;
	[sflag:s12] =	ssyncadd.s32 $0xFFFFD800  }
0x33: {  	[tilespmem:s18], [sflag:$0x2] =	stream.indirect.gather [hbm4b:s1+s16], $0x80, s26, s16, $0xb8;
	[tilespmem:$0x1F780] =	vst v63  }
0x34: {  	s26 =	smov.u32 s25;
	s25 =	sadd.s32 $0x400, s25;
	_ =	swait.ge [sflag:s19], $0x2800  }
0x35: {  	s28 =	sshra.s32 s24, $0x2;
	s24 =	smov.u32 s26;
	[sflag:s19] =	ssyncset.done $0x0  }
0x36: {  	s26 =	sadd.s32 $0x2780, s28;
	[sflag:s19] =	ssyncadd.s32 $0xFFFFD800  }
0x37: {  	[spmem:s3] =	stream.indirect.scatter.add.f32 [tilespmem:s17], [sflag:$0x3], $0x80, s26, s16, $0xb8;
	[tilespmem:$0x1F780] =	vst v63  }
0x38: {  	_ =	swait.ge [sflag:s12], $0x2800  }
0x39: {  	[sflag:s12] =	ssyncset.done $0x0  }
0x3a: {  	[sflag:s12] =	ssyncadd.s32 $0xFFFFD800  }
0x3b: {  	[tilespmem:s17], [sflag:$0x1] =	stream.indirect.gather [hbm4b:s1+s16], $0x80, s23, s16, $0xb8;
	[tilespmem:$0x1F780] =	vst v63  }
0x3c: {  	_ =	swait.ge [sflag:s20], $0x2800  }
.Ltmp0:
0x3d: {  	[sflag:s20] =	ssyncset.done $0x0;
	(pc) =	sbr.rel @p0 .LBB2_2-.Ltmp0, $4  }
0x3e: {  	s26 =	sadd.s32 $0x2800, s28;
	[sflag:s20] =	ssyncadd.s32 $0xFFFFD800  }
0x3f: {  	[spmem:s3] =	stream.indirect.scatter.add.f32 [tilespmem:s18], [sflag:$0x3], $0x80, s26, s16, $0xb8;
	[tilespmem:$0x1F780] =	vst v63  }
0x40: {  	_ =	swait.ge [sflag:s12], $0x2800  }
0x41: {  	s23 =	sadd.s32 $0xA0, s23;
	[sflag:s12] =	ssyncset.done $0x0  }
0x42: {  	s25 =	sadd.s32 $0xFFFFFFB0, s23;
	[sflag:s12] =	ssyncadd.s32 $0xFFFFD800  }
0x43: {  	[tilespmem:s18], [sflag:$0x2] =	stream.indirect.gather [hbm4b:s1+s16], $0x80, s25, s16, $0xb8;
	[tilespmem:$0x1F780] =	vst v63  }
0x44: {  	_ =	swait.ge [sflag:s19], $0x2800  }
0x45: {  	s24 =	sshra.s32 s24, $0x2;
	[sflag:s19] =	ssyncset.done $0x0  }
0x46: {  	s30 =	sadd.s32 $0x2780, s24;
	[sflag:s19] =	ssyncadd.s32 $0xFFFFD800  }
0x47: {  	[spmem:s3] =	stream.indirect.scatter.add.f32 [tilespmem:s17], [sflag:$0x3], $0x80, s30, s16, $0xb8;
	[tilespmem:$0x1F780] =	vst v63  }
0x48: {  	_ =	swait.ge [sflag:s12], $0x2800  }
0x49: {  	[sflag:s12] =	ssyncset.done $0x0  }
0x4a: {  	[sflag:s12] =	ssyncadd.s32 $0xFFFFD800  }
0x4b: {  	[tilespmem:s17], [sflag:$0x1] =	stream.indirect.gather [hbm4b:s1+s16], $0x80, s23, s16, $0xb8;
	[tilespmem:$0x1F780] =	vst v63  }
0x4c: {  	_ =	swait.ge [sflag:s20], $0x2800  }
0x4d: {  	[sflag:s20] =	ssyncset.done $0x0  }
0x4e: {  	s31 =	sadd.s32 $0x2800, s24;
	[sflag:s20] =	ssyncadd.s32 $0xFFFFD800  }
0x4f: {  	[spmem:s3] =	stream.indirect.scatter.add.f32 [tilespmem:s18], [sflag:$0x3], $0x80, s31, s16, $0xb8;
	[tilespmem:$0x1F780] =	vst v63  }
0x50: {  	_ =	swait.ge [sflag:s12], $0x2800  }
0x51: {  	[sflag:s12] =	ssyncset.done $0x0  }
0x52: {  	[sflag:s12] =	ssyncadd.s32 $0xFFFFD800  }
0x53: {  	_ =	swait.ge [sflag:s19], $0x2800  }
0x54: {  	[sflag:s19] =	ssyncset.done $0x0  }
0x55: {  	[sflag:s19] =	ssyncadd.s32 $0xFFFFD800  }
0x56: {  	[spmem:s3] =	stream.indirect.scatter.add.f32 [tilespmem:s17], [sflag:$0x3], $0x80, s21, s16, $0xb8;
	[tilespmem:$0x1F780] =	vst v63  }
0x57: {  	_ =	swait.ge [sflag:s12], $0x2800  }
0x58: {  	s22 =	sadd.s32 $0x1, s22;
	[sflag:s12] =	ssyncset.done $0x0  }
0x59: {  	p0 =	sne.s32 s22, s9;
	[sflag:s12] =	ssyncadd.s32 $0xFFFFD800  }
.Ltmp1:
0x5a: {  	[bflag:$0x0] =	sbarrier.arrive $0xFFFF;
	(pc) =	sbr.rel @p0 .LBB2_1-.Ltmp1, $4  }
0x5b: {  	[hbm:s8], [sflag:s14] =	dma.local [spmem:s15], $0x2800  }
0x5c: {  	_ =	swait.ge [sflag:s12], $0x2800  }
0x5d: {  	[sflag:s12] =	ssyncset.done $0x0  }
0x5e: {  	[sflag:s12] =	ssyncadd.s32 $0xFFFFD800  }
0x5f: {  	_ =	sfence.sel $0x180000  }
0x60: {  	[bflag:$0x0] =	sbarrier.arrive $0xFFFF  }
0x61: {  	p0 =	sne.s32 s0, $0x0;
	_ =	strace $0x90000047  }
0x62: {  	s0 =	sadd.s32 @!p0 $0x100000, s2;
	[bflag:$0x2] =	sbarrier.arrive $0xFFFF  }
0x63: {  	[sflag:s0] =	ssyncadd.tile.s32 @!p0 $0x1;
	_ =	shalt  }
.Lfunc_end2:
_tile_overlayer_lowered:
.L_overlay_start_2:
0x64: {  	(tag) =	ssettag $0x2  }
0x65: {  	s0 =	rddreg [dreg:$0x0];
	s2 =	stileid.u32  }
0x66: {  	s1 =	rddreg [dreg:$0x1];
	p0 =	sne.s32 s2, $0x0  }
0x67: {  	s3 =	rddreg [dreg:$0x2];
	[bflag:$0x3] =	sbarrier.arrive $0xFFFF;
	s2 =	simm.s32 @!p0 $0x1C03  }
0x68: {  	[timem:s3], [sflag:s2] =	dma.local @!p0 [hbm:s0], s1  }
0x69: {  	s0 =	simm.s32 @!p0 $0x3  }
0x6a: {  	_ =	swait.ge @!p0 [sflag:s0], s1  }
0x6b: {  	s1 =	ssub.s32 @!p0 $0x0, s1;
	[sflag:s0] =	ssyncset.done @!p0 $0x0  }
0x6c: {  	[sflag:s0] =	ssyncadd.s32 @!p0 s1  }
0x6d: {  	[bflag:$0x3] =	sbarrier.arrive $0xFFFF  }
0x6e: {  	_ =	shalt  }

</sc_bundles>
